<compile_context>
chip_gen: v7x
topology: tpu7x:2x2x1
jax: 0.10.2.dev20260603
libtpu: 0.0.44.dev20260713+nightly
codegen_flags: <defaults>
</compile_context>

<pallas_src>
import functools

import jax
import jax.numpy as jnp
from jax import lax
from jax.experimental import pallas as pl
from jax.experimental.pallas import tpu as pltpu
from jax.experimental.pallas import tpu_sc as plsc

N_NODES = 10000
N_EDGES = 320000
D_FEAT = 128
CHUNK = 80
GROUPS = CHUNK // 16


def _norms_body(h_ref, out_ref):
    h = h_ref[...]
    out_ref[...] = jnp.sqrt(jnp.sum(h * h, axis=1))


def _node_norms(h):
    return pl.pallas_call(
        _norms_body,
        out_shape=jax.ShapeDtypeStruct((h.shape[0],), jnp.float32),
    )(h)


@functools.cache
def _make_edge_kernel():
    info = plsc.get_sparse_core_info()
    num_cores = info.num_cores
    nw = num_cores * info.num_subcores
    e_per_w = N_EDGES // nw
    n_chunks = e_per_w // CHUNK
    assert n_chunks % 2 == 1

    mesh = plsc.VectorSubcoreMesh(core_axis_name="c", subcore_axis_name="s")

    @functools.partial(
        pl.kernel,
        mesh=mesh,
        compiler_params=pltpu.CompilerParams(needs_layout_passes=False,
                                             use_tc_tiling_on_sc=False),
        out_type=jax.ShapeDtypeStruct((N_EDGES,), jnp.float32),
        scratch_types=[
            pltpu.VMEM((N_NODES,), jnp.float32),
            pltpu.VMEM((e_per_w,), jnp.int32),
            pltpu.VMEM((e_per_w,), jnp.int32),
            pltpu.VMEM((e_per_w,), jnp.float32),
            pltpu.VMEM((CHUNK, D_FEAT // 2), jnp.float32),
            pltpu.VMEM((CHUNK, D_FEAT // 2), jnp.float32),
            pltpu.VMEM((CHUNK, D_FEAT // 2), jnp.float32),
            pltpu.VMEM((CHUNK, D_FEAT // 2), jnp.float32),
            pltpu.VMEM_SHARED((N_NODES, D_FEAT // 2), jnp.float32),
            pltpu.SemaphoreType.DMA,
            pltpu.SemaphoreType.DMA,
        ],
    )
    def edge_kernel(h_hbm, src_hbm, dst_hbm, norms_hbm, out_hbm,
                    norms_v, sids_v, dids_v, out_v,
                    srows0, srows1, drows0, drows1, h_sh,
                    sem0, sem1):
        sub = lax.axis_index("s")
        wid = sub * num_cores + lax.axis_index("c")
        wbase = wid * e_per_w
        slab = 16 * -(-N_NODES // (16 * info.num_subcores))
        last = N_NODES - (info.num_subcores - 1) * slab

        @pl.when(sub < info.num_subcores - 1)
        def _stage_main():
            pltpu.sync_copy(h_hbm.at[pl.ds(sub * slab, slab)],
                            h_sh.at[pl.ds(sub * slab, slab)])

        @pl.when(sub == info.num_subcores - 1)
        def _stage_last():
            base = (info.num_subcores - 1) * slab
            pltpu.sync_copy(h_hbm.at[pl.ds(base, last)],
                            h_sh.at[pl.ds(base, last)])

        pltpu.sync_copy(src_hbm.at[pl.ds(wbase, e_per_w)], sids_v)
        pltpu.sync_copy(dst_hbm.at[pl.ds(wbase, e_per_w)], dids_v)
        pltpu.sync_copy(norms_hbm, norms_v)
        plsc.subcore_barrier()

        def start(c, sbuf, dbuf, sem):
            pltpu.async_copy(h_sh.at[sids_v.at[pl.ds(c * CHUNK, CHUNK)]],
                             sbuf, sem)
            pltpu.async_copy(h_sh.at[dids_v.at[pl.ds(c * CHUNK, CHUNK)]],
                             dbuf, sem)

        def drain(sbuf, dbuf, sem):
            pltpu.make_async_copy(h_hbm.at[pl.ds(0, CHUNK)], sbuf, sem).wait()
            pltpu.make_async_copy(h_hbm.at[pl.ds(0, CHUNK)], dbuf, sem).wait()

        lane = lax.iota(jnp.int32, 16)
        perm8, perm4, perm2, perm1 = [lane ^ s for s in (8, 4, 2, 1)]
        perm_fix = (lane & 1) << 3
        low_half = lane < 8
        zero = jnp.zeros((16,), jnp.float32)

        def compute(c, sbuf, dbuf):
            def group_body(g):
                def edge_dot(row):
                    prods = []
                    for k in range(4):
                        s = plsc.bitcast(sbuf[row, pl.ds(k * 16, 16)],
                                         jnp.bfloat16)
                        t = plsc.bitcast(dbuf[row, pl.ds(k * 16, 16)],
                                         jnp.bfloat16)
                        pa, pb = plsc.unpack(
                            s * t, format=plsc.PackFormat.INTERLEAVED)
                        prods.append(pa)
                        prods.append(pb)
                    acc = ((prods[0] + prods[1]) + (prods[2] + prods[3])) + (
                        (prods[4] + prods[5]) + (prods[6] + prods[7]))
                    return acc + acc.at[perm8].get(mode="promise_in_bounds")

                def pair_body(i, num_acc):
                    row = g * 16 + i * 2
                    ba = edge_dot(row)
                    bb = edge_dot(row + 1)
                    c2 = jnp.where(low_half, ba, bb)
                    for p in (perm4, perm2, perm1):
                        c2 = c2 + c2.at[p].get(mode="promise_in_bounds")
                    d = c2.at[perm_fix].get(mode="promise_in_bounds")
                    m = (lane >> 1) == jnp.broadcast_to(i, (16,))
                    return jnp.where(m, d, num_acc)

                num_vec = plsc.parallel_loop(0, 8, carry=zero,
                                             unroll=2)(pair_body)
                e0 = c * CHUNK + g * 16
                sid = sids_v[pl.ds(e0, 16)]
                did = dids_v[pl.ds(e0, 16)]
                ns = plsc.load_gather(norms_v, [sid])
                nd = plsc.load_gather(norms_v, [did])
                denom = jnp.maximum(ns * nd, jnp.float32(1e-6))
                out_v[pl.ds(e0, 16)] = num_vec / denom

            plsc.parallel_loop(0, GROUPS)(group_body)

        start(0, srows0, drows0, sem0)

        def pair_body(i, carry):
            c = i * 2
            start(c + 1, srows1, drows1, sem1)
            drain(srows0, drows0, sem0)
            compute(c, srows0, drows0)
            start(c + 2, srows0, drows0, sem0)
            drain(srows1, drows1, sem1)
            compute(c + 1, srows1, drows1)
            return carry

        lax.fori_loop(0, (n_chunks - 1) // 2, pair_body, 0)
        drain(srows0, drows0, sem0)
        compute(n_chunks - 1, srows0, drows0)

        pltpu.sync_copy(out_v, out_hbm.at[pl.ds(wbase, e_per_w)])

    return edge_kernel


def kernel(h, edge_index):
    h = h.astype(jnp.float32)
    ei = edge_index.astype(jnp.int32)
    src = ei[0]
    dst = ei[1]
    norms = _node_norms(h)
    h16 = h.astype(jnp.bfloat16)
    h16w = lax.bitcast_convert_type(
        h16.reshape(N_NODES, D_FEAT // 2, 2), jnp.float32)
    return _make_edge_kernel()(h16w, src, dst, norms)

# --- scband reference (transcript-rebuilt; emitter-appended) ---
"""Pipeline reference for scband-cosine-predictor-81080392614622 (READ-ONLY COPY).

The authoritative reference and input builder live on the scoring server;
editing this copy changes nothing except your own understanding.
"""

import jax, jax.numpy as jnp
import numpy as np

N_NODES = 10000
N_EDGES = 320000
D_FEAT = 128

def setup_inputs(seed: int = 0) -> dict:
    key = jax.random.key(seed)
    k1, k2 = jax.random.split(key)
    h = jax.random.normal(k1, (N_NODES, D_FEAT), dtype=jnp.float32)
    edge_index = jax.random.randint(k2, (2, N_EDGES), 0, N_NODES, dtype=jnp.int64)
    return {"h": h, "edge_index": edge_index}

def reference(h, edge_index):
    # DGL apply_edges with udf_u_cos_v: cosine similarity between src and dst node features
    src = edge_index[0]
    dst = edge_index[1]
    h_src = jnp.take(h, src, axis=0)  # gather [E, d]
    h_dst = jnp.take(h, dst, axis=0)  # gather [E, d]
    # torch.nn.CosineSimilarity(dim=1, eps=1e-6):
    # cos = (x1 . x2) / max(||x1|| * ||x2||, eps)
    num = jnp.sum(h_src * h_dst, axis=1)
    norm_src = jnp.sqrt(jnp.sum(h_src * h_src, axis=1))
    norm_dst = jnp.sqrt(jnp.sum(h_dst * h_dst, axis=1))
    denom = jnp.maximum(norm_src * norm_dst, 1e-6)
    return num / denom

if __name__ == "__main__":
    import jax
    _d = setup_inputs()
    print(jax.jit(kernel)(*tuple(_d.values())))

</pallas_src>

<mosaic_0001>
#map = affine_map<(d0, d1) -> (0, 0)>
#map1 = affine_map<(d0, d1) -> (0)>
module attributes {stable_mosaic.version = 14 : i64} {
  func.func @edge_kernel(%arg0: i32, %arg1: i32, %arg2: memref<10000x64xf32, #tpu.memory_space<hbm>>, %arg3: memref<320000xi32, #tpu.memory_space<hbm>>, %arg4: memref<320000xi32, #tpu.memory_space<hbm>>, %arg5: memref<10000xf32, #tpu.memory_space<hbm>>, %arg6: memref<320000xf32, #tpu.memory_space<hbm>>, %arg7: memref<10000xf32, #tpu.memory_space<vmem>>, %arg8: memref<10000xi32, #tpu.memory_space<vmem>>, %arg9: memref<10000xi32, #tpu.memory_space<vmem>>, %arg10: memref<10000xf32, #tpu.memory_space<vmem>>, %arg11: memref<80x64xf32, #tpu.memory_space<vmem>>, %arg12: memref<80x64xf32, #tpu.memory_space<vmem>>, %arg13: memref<80x64xf32, #tpu.memory_space<vmem>>, %arg14: memref<80x64xf32, #tpu.memory_space<vmem>>, %arg15: memref<10000x64xf32, #tpu.memory_space<vmem_shared>>, %arg16: memref<!tpu.dma_semaphore, #tpu.memory_space<semaphore_mem>>, %arg17: memref<!tpu.dma_semaphore, #tpu.memory_space<semaphore_mem>>) attributes {dimension_semantics = [#tpu.dimension_semantics<core_parallel>, #tpu.dimension_semantics<subcore_parallel>], iteration_bounds = array<i64: 2, 16>, scalar_prefetch = 0 : i64, scratch_operands = 11 : i64, tpu.core_type = #tpu.core_type<sc_vector_subcore>, window_params = [{transform_indices = #map}, {transform_indices = #map1}, {transform_indices = #map1}, {transform_indices = #map1}, {transform_indices = #map1}]} {
    %mul3A = arith.constant 2 : i32
    %mul3A_0 = arith.muli %arg1, %mul3A : i32
    %add3A = arith.addi %mul3A_0, %arg0 : i32
    %mul3A_1 = arith.constant 10000 : i32
    %mul3A_2 = arith.muli %add3A, %mul3A_1 : i32
    %lt3A = arith.constant 15 : i32
    %lt3A_3 = arith.cmpi slt, %arg1, %lt3A : i32
    %convert_element_type3A = arith.extui %lt3A_3 : i1 to i32
    %cond3A = arith.constant 0 : i32
    %cond3A_4 = arith.cmpi ne, %convert_element_type3A, %cond3A : i32
    scf.if %cond3A_4 {
      %mul3A_55 = arith.constant 640 : i32
      %mul3A_56 = arith.muli %arg1, %mul3A_55 : i32
      %mul3A_57 = arith.constant 640 : i32
      %mul3A_58 = arith.muli %arg1, %mul3A_57 : i32
      "tpu.region"() ({
        %run_scoped3A = tpu.sem_alloc : memref<!tpu.dma_semaphore, #tpu.memory_space<semaphore_mem>>
        %dma_start3A_59 = arith.constant 0 : i32
        %dma_start3A_60 = tpu.memref_slice %arg15[%mul3A_58, %dma_start3A_59] : memref<10000x64xf32, #tpu.memory_space<vmem_shared>> -> memref<640x64xf32, #tpu.memory_space<vmem_shared>>
        %dma_start3A_61 = arith.constant 0 : i32
        %dma_start3A_62 = tpu.memref_slice %arg2[%mul3A_56, %dma_start3A_61] : memref<10000x64xf32, #tpu.memory_space<hbm>> -> memref<640x64xf32, #tpu.memory_space<hbm>>
        tpu.enqueue_dma source(%dma_start3A_62 : memref<640x64xf32, #tpu.memory_space<hbm>>) target(%dma_start3A_60 : memref<640x64xf32, #tpu.memory_space<vmem_shared>>) target_semaphore(%run_scoped3A : memref<!tpu.dma_semaphore, #tpu.memory_space<semaphore_mem>>)
        %dma_wait3A_63 = arith.constant 0 : i32
        %dma_wait3A_64 = tpu.memref_slice %arg15[%mul3A_58, %dma_wait3A_63] : memref<10000x64xf32, #tpu.memory_space<vmem_shared>> -> memref<640x64xf32, #tpu.memory_space<vmem_shared>>
        %dma_wait3A_65 = arith.constant 0 : i32
        %dma_wait3A_66 = tpu.memref_slice %arg2[%mul3A_56, %dma_wait3A_65] : memref<10000x64xf32, #tpu.memory_space<hbm>> -> memref<640x64xf32, #tpu.memory_space<hbm>>
        tpu.wait_dma2 semaphore(%run_scoped3A : memref<!tpu.dma_semaphore, #tpu.memory_space<semaphore_mem>>) src(%dma_wait3A_66 : memref<640x64xf32, #tpu.memory_space<hbm>>) dst(%dma_wait3A_64 : memref<640x64xf32, #tpu.memory_space<vmem_shared>>)
        tpu.yield
      }) : () -> ()
    } else {
    }
    %eq3A = arith.constant 15 : i32
    %eq3A_5 = arith.cmpi eq, %arg1, %eq3A : i32
    %convert_element_type3A_6 = arith.extui %eq3A_5 : i1 to i32
    %cond3A_7 = arith.constant 0 : i32
    %cond3A_8 = arith.cmpi ne, %convert_element_type3A_6, %cond3A_7 : i32
    scf.if %cond3A_8 {
      "tpu.region"() ({
        %run_scoped3A = tpu.sem_alloc : memref<!tpu.dma_semaphore, #tpu.memory_space<semaphore_mem>>
        %dma_start3A_55 = arith.constant 9600 : i32
        %dma_start3A_56 = arith.constant 0 : i32
        %dma_start3A_57 = tpu.memref_slice %arg15[%dma_start3A_55, %dma_start3A_56] : memref<10000x64xf32, #tpu.memory_space<vmem_shared>> -> memref<400x64xf32, #tpu.memory_space<vmem_shared>>
        %dma_start3A_58 = arith.constant 9600 : i32
        %dma_start3A_59 = arith.constant 0 : i32
        %dma_start3A_60 = tpu.memref_slice %arg2[%dma_start3A_58, %dma_start3A_59] : memref<10000x64xf32, #tpu.memory_space<hbm>> -> memref<400x64xf32, #tpu.memory_space<hbm>>
        tpu.enqueue_dma source(%dma_start3A_60 : memref<400x64xf32, #tpu.memory_space<hbm>>) target(%dma_start3A_57 : memref<400x64xf32, #tpu.memory_space<vmem_shared>>) target_semaphore(%run_scoped3A : memref<!tpu.dma_semaphore, #tpu.memory_space<semaphore_mem>>)
        %dma_wait3A_61 = arith.constant 9600 : i32
        %dma_wait3A_62 = arith.constant 0 : i32
        %dma_wait3A_63 = tpu.memref_slice %arg15[%dma_wait3A_61, %dma_wait3A_62] : memref<10000x64xf32, #tpu.memory_space<vmem_shared>> -> memref<400x64xf32, #tpu.memory_space<vmem_shared>>
        %dma_wait3A_64 = arith.constant 9600 : i32
        %dma_wait3A_65 = arith.constant 0 : i32
        %dma_wait3A_66 = tpu.memref_slice %arg2[%dma_wait3A_64, %dma_wait3A_65] : memref<10000x64xf32, #tpu.memory_space<hbm>> -> memref<400x64xf32, #tpu.memory_space<hbm>>
        tpu.wait_dma2 semaphore(%run_scoped3A : memref<!tpu.dma_semaphore, #tpu.memory_space<semaphore_mem>>) src(%dma_wait3A_66 : memref<400x64xf32, #tpu.memory_space<hbm>>) dst(%dma_wait3A_63 : memref<400x64xf32, #tpu.memory_space<vmem_shared>>)
        tpu.yield
      }) : () -> ()
    } else {
    }
    "tpu.region"() ({
      %run_scoped3A = tpu.sem_alloc : memref<!tpu.dma_semaphore, #tpu.memory_space<semaphore_mem>>
      %dma_start3A_55 = tpu.memref_slice %arg3[%mul3A_2] : memref<320000xi32, #tpu.memory_space<hbm>> -> memref<10000xi32, #tpu.memory_space<hbm>>
      %dma_start3A_56 = tpu.memref_slice %arg3[%mul3A_2] : memref<320000xi32, #tpu.memory_space<hbm>> -> memref<10000xi32, #tpu.memory_space<hbm>>
      tpu.enqueue_dma source(%dma_start3A_56 : memref<10000xi32, #tpu.memory_space<hbm>>) target(%arg8 : memref<10000xi32, #tpu.memory_space<vmem>>) target_semaphore(%run_scoped3A : memref<!tpu.dma_semaphore, #tpu.memory_space<semaphore_mem>>)
      %dma_wait3A_57 = tpu.memref_slice %arg3[%mul3A_2] : memref<320000xi32, #tpu.memory_space<hbm>> -> memref<10000xi32, #tpu.memory_space<hbm>>
      %dma_wait3A_58 = tpu.memref_slice %arg3[%mul3A_2] : memref<320000xi32, #tpu.memory_space<hbm>> -> memref<10000xi32, #tpu.memory_space<hbm>>
      tpu.wait_dma2 semaphore(%run_scoped3A : memref<!tpu.dma_semaphore, #tpu.memory_space<semaphore_mem>>) src(%dma_wait3A_58 : memref<10000xi32, #tpu.memory_space<hbm>>) dst(%arg8 : memref<10000xi32, #tpu.memory_space<vmem>>)
      tpu.yield
    }) : () -> ()
    "tpu.region"() ({
      %run_scoped3A = tpu.sem_alloc : memref<!tpu.dma_semaphore, #tpu.memory_space<semaphore_mem>>
      %dma_start3A_55 = tpu.memref_slice %arg4[%mul3A_2] : memref<320000xi32, #tpu.memory_space<hbm>> -> memref<10000xi32, #tpu.memory_space<hbm>>
      %dma_start3A_56 = tpu.memref_slice %arg4[%mul3A_2] : memref<320000xi32, #tpu.memory_space<hbm>> -> memref<10000xi32, #tpu.memory_space<hbm>>
      tpu.enqueue_dma source(%dma_start3A_56 : memref<10000xi32, #tpu.memory_space<hbm>>) target(%arg9 : memref<10000xi32, #tpu.memory_space<vmem>>) target_semaphore(%run_scoped3A : memref<!tpu.dma_semaphore, #tpu.memory_space<semaphore_mem>>)
      %dma_wait3A_57 = tpu.memref_slice %arg4[%mul3A_2] : memref<320000xi32, #tpu.memory_space<hbm>> -> memref<10000xi32, #tpu.memory_space<hbm>>
      %dma_wait3A_58 = tpu.memref_slice %arg4[%mul3A_2] : memref<320000xi32, #tpu.memory_space<hbm>> -> memref<10000xi32, #tpu.memory_space<hbm>>
      tpu.wait_dma2 semaphore(%run_scoped3A : memref<!tpu.dma_semaphore, #tpu.memory_space<semaphore_mem>>) src(%dma_wait3A_58 : memref<10000xi32, #tpu.memory_space<hbm>>) dst(%arg9 : memref<10000xi32, #tpu.memory_space<vmem>>)
      tpu.yield
    }) : () -> ()
    "tpu.region"() ({
      %run_scoped3A = tpu.sem_alloc : memref<!tpu.dma_semaphore, #tpu.memory_space<semaphore_mem>>
      tpu.enqueue_dma source(%arg5 : memref<10000xf32, #tpu.memory_space<hbm>>) target(%arg7 : memref<10000xf32, #tpu.memory_space<vmem>>) target_semaphore(%run_scoped3A : memref<!tpu.dma_semaphore, #tpu.memory_space<semaphore_mem>>)
      tpu.wait_dma2 semaphore(%run_scoped3A : memref<!tpu.dma_semaphore, #tpu.memory_space<semaphore_mem>>) src(%arg5 : memref<10000xf32, #tpu.memory_space<hbm>>) dst(%arg7 : memref<10000xf32, #tpu.memory_space<vmem>>)
      tpu.yield
    }) : () -> ()
    %barrier3A = arith.constant 0 : index
    tpu.barrier barrier_id(%barrier3A)
    %iota3A = tpu.iota {dimensions = array<i32: 0>} : vector<16xi32>
    %xor3A = arith.constant 8 : i32
    %xor3A_9 = vector.broadcast %xor3A : i32 to vector<16xi32>
    %xor3A_10 = arith.xori %iota3A, %xor3A_9 : vector<16xi32>
    %xor3A_11 = arith.constant 4 : i32
    %xor3A_12 = vector.broadcast %xor3A_11 : i32 to vector<16xi32>
    %xor3A_13 = arith.xori %iota3A, %xor3A_12 : vector<16xi32>
    %xor3A_14 = arith.constant 2 : i32
    %xor3A_15 = vector.broadcast %xor3A_14 : i32 to vector<16xi32>
    %xor3A_16 = arith.xori %iota3A, %xor3A_15 : vector<16xi32>
    %xor3A_17 = arith.constant 1 : i32
    %xor3A_18 = vector.broadcast %xor3A_17 : i32 to vector<16xi32>
    %xor3A_19 = arith.xori %iota3A, %xor3A_18 : vector<16xi32>
    %and3A = arith.constant 1 : i32
    %and3A_20 = vector.broadcast %and3A : i32 to vector<16xi32>
    %and3A_21 = arith.andi %iota3A, %and3A_20 : vector<16xi32>
    %shift_left3A = arith.constant 3 : i32
    %shift_left3A_22 = vector.broadcast %shift_left3A : i32 to vector<16xi32>
    %shift_left3A_23 = arith.shli %and3A_21, %shift_left3A_22 : vector<16xi32>
    %lt3A_24 = arith.constant 8 : i32
    %lt3A_25 = vector.broadcast %lt3A_24 : i32 to vector<16xi32>
    %lt3A_26 = arith.cmpi slt, %iota3A, %lt3A_25 : vector<16xi32>
    %broadcast_in_dim3A = arith.constant 0.000000e+00 : f32
    %broadcast_in_dim3A_27 = vector.broadcast %broadcast_in_dim3A : f32 to vector<16xf32>
    %dma_start3A = arith.constant 0 : i32
    %dma_start3A_28 = tpu.memref_slice %arg8[%dma_start3A] : memref<10000xi32, #tpu.memory_space<vmem>> -> memref<80xi32, #tpu.memory_space<vmem>>
    %dma_start3A_29 = arith.constant 0 : i32
    %dma_start3A_30 = arith.constant 0 : i32
    %dma_start3A_31 = tpu.memref_slice %arg15[%dma_start3A_29, %dma_start3A_30] : memref<10000x64xf32, #tpu.memory_space<vmem_shared>> -> memref<10000x64xf32, #tpu.memory_space<vmem_shared>>
    tpu.enqueue_indirect_dma source(%dma_start3A_31 : memref<10000x64xf32, #tpu.memory_space<vmem_shared>>) target(%arg11 : memref<80x64xf32, #tpu.memory_space<vmem>>) offsets(%dma_start3A_28 : memref<80xi32, #tpu.memory_space<vmem>>) semaphore(%arg16 : memref<!tpu.dma_semaphore, #tpu.memory_space<semaphore_mem>>)
    %dma_start3A_32 = arith.constant 0 : i32
    %dma_start3A_33 = tpu.memref_slice %arg9[%dma_start3A_32] : memref<10000xi32, #tpu.memory_space<vmem>> -> memref<80xi32, #tpu.memory_space<vmem>>
    %dma_start3A_34 = arith.constant 0 : i32
    %dma_start3A_35 = arith.constant 0 : i32
    %dma_start3A_36 = tpu.memref_slice %arg15[%dma_start3A_34, %dma_start3A_35] : memref<10000x64xf32, #tpu.memory_space<vmem_shared>> -> memref<10000x64xf32, #tpu.memory_space<vmem_shared>>
    tpu.enqueue_indirect_dma source(%dma_start3A_36 : memref<10000x64xf32, #tpu.memory_space<vmem_shared>>) target(%arg13 : memref<80x64xf32, #tpu.memory_space<vmem>>) offsets(%dma_start3A_33 : memref<80xi32, #tpu.memory_space<vmem>>) semaphore(%arg16 : memref<!tpu.dma_semaphore, #tpu.memory_space<semaphore_mem>>)
    %scan3A = arith.constant 0 : i32
    %scan3A_37 = arith.constant 0 : i32
    %scan3A_38 = arith.constant 62 : i32
    %scan3A_39 = arith.addi %scan3A_37, %scan3A_38 : i32
    %scan3A_40 = arith.constant 1 : i32
    scf.for %scan3A_55 = %scan3A_37 to %scan3A_39 step %scan3A_40  : i32 {
      %mul3A_56 = arith.constant 2 : i32
      %mul3A_57 = arith.muli %scan3A_55, %mul3A_56 : i32
      %add3A_58 = arith.constant 1 : i32
      %add3A_59 = arith.addi %mul3A_57, %add3A_58 : i32
      %mul3A_60 = arith.constant 80 : i32
      %mul3A_61 = arith.muli %add3A_59, %mul3A_60 : i32
      %dma_start3A_62 = tpu.memref_slice %arg8[%mul3A_61] : memref<10000xi32, #tpu.memory_space<vmem>> -> memref<80xi32, #tpu.memory_space<vmem>>
      %dma_start3A_63 = arith.constant 0 : i32
      %dma_start3A_64 = arith.constant 0 : i32
      %dma_start3A_65 = tpu.memref_slice %arg15[%dma_start3A_63, %dma_start3A_64] : memref<10000x64xf32, #tpu.memory_space<vmem_shared>> -> memref<10000x64xf32, #tpu.memory_space<vmem_shared>>
      tpu.enqueue_indirect_dma source(%dma_start3A_65 : memref<10000x64xf32, #tpu.memory_space<vmem_shared>>) target(%arg12 : memref<80x64xf32, #tpu.memory_space<vmem>>) offsets(%dma_start3A_62 : memref<80xi32, #tpu.memory_space<vmem>>) semaphore(%arg17 : memref<!tpu.dma_semaphore, #tpu.memory_space<semaphore_mem>>)
      %mul3A_66 = arith.constant 80 : i32
      %mul3A_67 = arith.muli %add3A_59, %mul3A_66 : i32
      %dma_start3A_68 = tpu.memref_slice %arg9[%mul3A_67] : memref<10000xi32, #tpu.memory_space<vmem>> -> memref<80xi32, #tpu.memory_space<vmem>>
      %dma_start3A_69 = arith.constant 0 : i32
      %dma_start3A_70 = arith.constant 0 : i32
      %dma_start3A_71 = tpu.memref_slice %arg15[%dma_start3A_69, %dma_start3A_70] : memref<10000x64xf32, #tpu.memory_space<vmem_shared>> -> memref<10000x64xf32, #tpu.memory_space<vmem_shared>>
      tpu.enqueue_indirect_dma source(%dma_start3A_71 : memref<10000x64xf32, #tpu.memory_space<vmem_shared>>) target(%arg14 : memref<80x64xf32, #tpu.memory_space<vmem>>) offsets(%dma_start3A_68 : memref<80xi32, #tpu.memory_space<vmem>>) semaphore(%arg17 : memref<!tpu.dma_semaphore, #tpu.memory_space<semaphore_mem>>)
      %dma_wait3A_72 = arith.constant 0 : i32
      %dma_wait3A_73 = arith.constant 0 : i32
      %dma_wait3A_74 = tpu.memref_slice %arg2[%dma_wait3A_72, %dma_wait3A_73] : memref<10000x64xf32, #tpu.memory_space<hbm>> -> memref<80x64xf32, #tpu.memory_space<hbm>>
      %dma_wait3A_75 = arith.constant 0 : i32
      %dma_wait3A_76 = arith.constant 0 : i32
      %dma_wait3A_77 = tpu.memref_slice %arg2[%dma_wait3A_75, %dma_wait3A_76] : memref<10000x64xf32, #tpu.memory_space<hbm>> -> memref<80x64xf32, #tpu.memory_space<hbm>>
      tpu.wait_dma2 semaphore(%arg16 : memref<!tpu.dma_semaphore, #tpu.memory_space<semaphore_mem>>) src(%dma_wait3A_77 : memref<80x64xf32, #tpu.memory_space<hbm>>) dst(%arg11 : memref<80x64xf32, #tpu.memory_space<vmem>>)
      %dma_wait3A_78 = arith.constant 0 : i32
      %dma_wait3A_79 = arith.constant 0 : i32
      %dma_wait3A_80 = tpu.memref_slice %arg2[%dma_wait3A_78, %dma_wait3A_79] : memref<10000x64xf32, #tpu.memory_space<hbm>> -> memref<80x64xf32, #tpu.memory_space<hbm>>
      %dma_wait3A_81 = arith.constant 0 : i32
      %dma_wait3A_82 = arith.constant 0 : i32
      %dma_wait3A_83 = tpu.memref_slice %arg2[%dma_wait3A_81, %dma_wait3A_82] : memref<10000x64xf32, #tpu.memory_space<hbm>> -> memref<80x64xf32, #tpu.memory_space<hbm>>
      tpu.wait_dma2 semaphore(%arg16 : memref<!tpu.dma_semaphore, #tpu.memory_space<semaphore_mem>>) src(%dma_wait3A_83 : memref<80x64xf32, #tpu.memory_space<hbm>>) dst(%arg13 : memref<80x64xf32, #tpu.memory_space<vmem>>)
      %parallel_loop3A_84 = arith.constant 0 : i32
      %parallel_loop3A_85 = arith.constant 5 : i32
      %parallel_loop3A_86 = arith.constant 1 : i32
      scf.for %parallel_loop3A_118 = %parallel_loop3A_84 to %parallel_loop3A_85 step %parallel_loop3A_86  : i32 {
        %parallel_loop3A_119 = arith.constant 0 : i32
        %parallel_loop3A_120 = arith.constant 8 : i32
        %parallel_loop3A_121 = arith.constant 1 : i32
        %parallel_loop3A_122 = scf.for %parallel_loop3A_141 = %parallel_loop3A_119 to %parallel_loop3A_120 step %parallel_loop3A_121 iter_args(%parallel_loop3A_142 = %broadcast_in_dim3A_27) -> (vector<16xf32>)  : i32 {
          %parallel_loop3A_143 = arith.constant 16 : i32
          %parallel_loop3A_144 = arith.muli %parallel_loop3A_118, %parallel_loop3A_143 : i32
          %parallel_loop3A_145 = arith.constant 2 : i32
          %parallel_loop3A_146 = arith.muli %parallel_loop3A_141, %parallel_loop3A_145 : i32
          %parallel_loop3A_147 = arith.addi %parallel_loop3A_144, %parallel_loop3A_146 : i32
          %parallel_loop3A_148 = arith.index_cast %parallel_loop3A_147 : i32 to index
          %parallel_loop3A_149 = arith.constant 0 : index
          %parallel_loop3A_150 = tpu.vector_load %arg11[%parallel_loop3A_148, %parallel_loop3A_149] {strides = array<i32>} : memref<80x64xf32, #tpu.memory_space<vmem>>, vector<16xf32>,
          %parallel_loop3A_151 = vector.bitcast %parallel_loop3A_150 : vector<16xf32> to vector<32xbf16>
          %parallel_loop3A_152 = arith.index_cast %parallel_loop3A_147 : i32 to index
          %parallel_loop3A_153 = arith.constant 0 : index
          %parallel_loop3A_154 = tpu.vector_load %arg13[%parallel_loop3A_152, %parallel_loop3A_153] {strides = array<i32>} : memref<80x64xf32, #tpu.memory_space<vmem>>, vector<16xf32>,
          %parallel_loop3A_155 = vector.bitcast %parallel_loop3A_154 : vector<16xf32> to vector<32xbf16>
          %parallel_loop3A_156 = arith.mulf %parallel_loop3A_151, %parallel_loop3A_155 : vector<32xbf16>
          %parallel_loop3A_157 = tpu.unpack_subelements %parallel_loop3A_156, 0 {pack_format = #tpu.pack_format<interleaved>} : vector<32xbf16> -> vector<16xf32>
          %parallel_loop3A_158 = tpu.unpack_subelements %parallel_loop3A_156, 1 {pack_format = #tpu.pack_format<interleaved>} : vector<32xbf16> -> vector<16xf32>
          %parallel_loop3A_159 = arith.index_cast %parallel_loop3A_147 : i32 to index
          %parallel_loop3A_160 = arith.constant 16 : index
          %parallel_loop3A_161 = tpu.vector_load %arg11[%parallel_loop3A_159, %parallel_loop3A_160] {strides = array<i32>} : memref<80x64xf32, #tpu.memory_space<vmem>>, vector<16xf32>,
          %parallel_loop3A_162 = vector.bitcast %parallel_loop3A_161 : vector<16xf32> to vector<32xbf16>
          %parallel_loop3A_163 = arith.index_cast %parallel_loop3A_147 : i32 to index
          %parallel_loop3A_164 = arith.constant 16 : index
          %parallel_loop3A_165 = tpu.vector_load %arg13[%parallel_loop3A_163, %parallel_loop3A_164] {strides = array<i32>} : memref<80x64xf32, #tpu.memory_space<vmem>>, vector<16xf32>,
          %parallel_loop3A_166 = vector.bitcast %parallel_loop3A_165 : vector<16xf32> to vector<32xbf16>
          %parallel_loop3A_167 = arith.mulf %parallel_loop3A_162, %parallel_loop3A_166 : vector<32xbf16>
          %parallel_loop3A_168 = tpu.unpack_subelements %parallel_loop3A_167, 0 {pack_format = #tpu.pack_format<interleaved>} : vector<32xbf16> -> vector<16xf32>
          %parallel_loop3A_169 = tpu.unpack_subelements %parallel_loop3A_167, 1 {pack_format = #tpu.pack_format<interleaved>} : vector<32xbf16> -> vector<16xf32>
          %parallel_loop3A_170 = arith.index_cast %parallel_loop3A_147 : i32 to index
          %parallel_loop3A_171 = arith.constant 32 : index
          %parallel_loop3A_172 = tpu.vector_load %arg11[%parallel_loop3A_170, %parallel_loop3A_171] {strides = array<i32>} : memref<80x64xf32, #tpu.memory_space<vmem>>, vector<16xf32>,
          %parallel_loop3A_173 = vector.bitcast %parallel_loop3A_172 : vector<16xf32> to vector<32xbf16>
          %parallel_loop3A_174 = arith.index_cast %parallel_loop3A_147 : i32 to index
          %parallel_loop3A_175 = arith.constant 32 : index
          %parallel_loop3A_176 = tpu.vector_load %arg13[%parallel_loop3A_174, %parallel_loop3A_175] {strides = array<i32>} : memref<80x64xf32, #tpu.memory_space<vmem>>, vector<16xf32>,
          %parallel_loop3A_177 = vector.bitcast %parallel_loop3A_176 : vector<16xf32> to vector<32xbf16>
          %parallel_loop3A_178 = arith.mulf %parallel_loop3A_173, %parallel_loop3A_177 : vector<32xbf16>
          %parallel_loop3A_179 = tpu.unpack_subelements %parallel_loop3A_178, 0 {pack_format = #tpu.pack_format<interleaved>} : vector<32xbf16> -> vector<16xf32>
          %parallel_loop3A_180 = tpu.unpack_subelements %parallel_loop3A_178, 1 {pack_format = #tpu.pack_format<interleaved>} : vector<32xbf16> -> vector<16xf32>
          %parallel_loop3A_181 = arith.index_cast %parallel_loop3A_147 : i32 to index
          %parallel_loop3A_182 = arith.constant 48 : index
          %parallel_loop3A_183 = tpu.vector_load %arg11[%parallel_loop3A_181, %parallel_loop3A_182] {strides = array<i32>} : memref<80x64xf32, #tpu.memory_space<vmem>>, vector<16xf32>,
          %parallel_loop3A_184 = vector.bitcast %parallel_loop3A_183 : vector<16xf32> to vector<32xbf16>
          %parallel_loop3A_185 = arith.index_cast %parallel_loop3A_147 : i32 to index
          %parallel_loop3A_186 = arith.constant 48 : index
          %parallel_loop3A_187 = tpu.vector_load %arg13[%parallel_loop3A_185, %parallel_loop3A_186] {strides = array<i32>} : memref<80x64xf32, #tpu.memory_space<vmem>>, vector<16xf32>,
          %parallel_loop3A_188 = vector.bitcast %parallel_loop3A_187 : vector<16xf32> to vector<32xbf16>
          %parallel_loop3A_189 = arith.mulf %parallel_loop3A_184, %parallel_loop3A_188 : vector<32xbf16>
          %parallel_loop3A_190 = tpu.unpack_subelements %parallel_loop3A_189, 0 {pack_format = #tpu.pack_format<interleaved>} : vector<32xbf16> -> vector<16xf32>
          %parallel_loop3A_191 = tpu.unpack_subelements %parallel_loop3A_189, 1 {pack_format = #tpu.pack_format<interleaved>} : vector<32xbf16> -> vector<16xf32>
          %parallel_loop3A_192 = arith.addf %parallel_loop3A_157, %parallel_loop3A_158 : vector<16xf32>
          %parallel_loop3A_193 = arith.addf %parallel_loop3A_168, %parallel_loop3A_169 : vector<16xf32>
          %parallel_loop3A_194 = arith.addf %parallel_loop3A_192, %parallel_loop3A_193 : vector<16xf32>
          %parallel_loop3A_195 = arith.addf %parallel_loop3A_179, %parallel_loop3A_180 : vector<16xf32>
          %parallel_loop3A_196 = arith.addf %parallel_loop3A_190, %parallel_loop3A_191 : vector<16xf32>
          %parallel_loop3A_197 = arith.addf %parallel_loop3A_195, %parallel_loop3A_196 : vector<16xf32>
          %parallel_loop3A_198 = arith.addf %parallel_loop3A_194, %parallel_loop3A_197 : vector<16xf32>
          %parallel_loop3A_199 = arith.constant 0 : i32
          %parallel_loop3A_200 = vector.broadcast %parallel_loop3A_199 : i32 to vector<16xi32>
          %parallel_loop3A_201 = arith.cmpi slt, %xor3A_10, %parallel_loop3A_200 : vector<16xi32>
          %parallel_loop3A_202 = arith.constant 16 : i32
          %parallel_loop3A_203 = vector.broadcast %parallel_loop3A_202 : i32 to vector<16xi32>
          %parallel_loop3A_204 = arith.addi %xor3A_10, %parallel_loop3A_203 : vector<16xi32>
          %parallel_loop3A_205 = arith.select %parallel_loop3A_201, %parallel_loop3A_204, %xor3A_10 : vector<16xi1>, vector<16xi32>
          %parallel_loop3A_206 = vector.shape_cast %parallel_loop3A_205 : vector<16xi32> to vector<16x1xi32>
          %parallel_loop3A_207 = vector.shape_cast %parallel_loop3A_206 : vector<16x1xi32> to vector<16xi32>
          %parallel_loop3A_208 = tpu.dynamic_gather %parallel_loop3A_198[%parallel_loop3A_207] in [0] : vector<16xf32>, vector<16xi32> -> vector<16xf32>
          %parallel_loop3A_209 = arith.addf %parallel_loop3A_198, %parallel_loop3A_208 : vector<16xf32>
          %parallel_loop3A_210 = arith.constant 1 : i32
          %parallel_loop3A_211 = arith.addi %parallel_loop3A_147, %parallel_loop3A_210 : i32
          %parallel_loop3A_212 = arith.index_cast %parallel_loop3A_211 : i32 to index
          %parallel_loop3A_213 = arith.constant 0 : index
          %parallel_loop3A_214 = tpu.vector_load %arg11[%parallel_loop3A_212, %parallel_loop3A_213] {strides = array<i32>} : memref<80x64xf32, #tpu.memory_space<vmem>>, vector<16xf32>,
          %parallel_loop3A_215 = vector.bitcast %parallel_loop3A_214 : vector<16xf32> to vector<32xbf16>
          %parallel_loop3A_216 = arith.index_cast %parallel_loop3A_211 : i32 to index
          %parallel_loop3A_217 = arith.constant 0 : index
          %parallel_loop3A_218 = tpu.vector_load %arg13[%parallel_loop3A_216, %parallel_loop3A_217] {strides = array<i32>} : memref<80x64xf32, #tpu.memory_space<vmem>>, vector<16xf32>,
          %parallel_loop3A_219 = vector.bitcast %parallel_loop3A_218 : vector<16xf32> to vector<32xbf16>
          %parallel_loop3A_220 = arith.mulf %parallel_loop3A_215, %parallel_loop3A_219 : vector<32xbf16>
          %parallel_loop3A_221 = tpu.unpack_subelements %parallel_loop3A_220, 0 {pack_format = #tpu.pack_format<interleaved>} : vector<32xbf16> -> vector<16xf32>
          %parallel_loop3A_222 = tpu.unpack_subelements %parallel_loop3A_220, 1 {pack_format = #tpu.pack_format<interleaved>} : vector<32xbf16> -> vector<16xf32>
          %parallel_loop3A_223 = arith.index_cast %parallel_loop3A_211 : i32 to index
          %parallel_loop3A_224 = arith.constant 16 : index
          %parallel_loop3A_225 = tpu.vector_load %arg11[%parallel_loop3A_223, %parallel_loop3A_224] {strides = array<i32>} : memref<80x64xf32, #tpu.memory_space<vmem>>, vector<16xf32>,
          %parallel_loop3A_226 = vector.bitcast %parallel_loop3A_225 : vector<16xf32> to vector<32xbf16>
          %parallel_loop3A_227 = arith.index_cast %parallel_loop3A_211 : i32 to index
          %parallel_loop3A_228 = arith.constant 16 : index
          %parallel_loop3A_229 = tpu.vector_load %arg13[%parallel_loop3A_227, %parallel_loop3A_228] {strides = array<i32>} : memref<80x64xf32, #tpu.memory_space<vmem>>, vector<16xf32>,
          %parallel_loop3A_230 = vector.bitcast %parallel_loop3A_229 : vector<16xf32> to vector<32xbf16>
          %parallel_loop3A_231 = arith.mulf %parallel_loop3A_226, %parallel_loop3A_230 : vector<32xbf16>
          %parallel_loop3A_232 = tpu.unpack_subelements %parallel_loop3A_231, 0 {pack_format = #tpu.pack_format<interleaved>} : vector<32xbf16> -> vector<16xf32>
          %parallel_loop3A_233 = tpu.unpack_subelements %parallel_loop3A_231, 1 {pack_format = #tpu.pack_format<interleaved>} : vector<32xbf16> -> vector<16xf32>
          %parallel_loop3A_234 = arith.index_cast %parallel_loop3A_211 : i32 to index
          %parallel_loop3A_235 = arith.constant 32 : index
          %parallel_loop3A_236 = tpu.vector_load %arg11[%parallel_loop3A_234, %parallel_loop3A_235] {strides = array<i32>} : memref<80x64xf32, #tpu.memory_space<vmem>>, vector<16xf32>,
          %parallel_loop3A_237 = vector.bitcast %parallel_loop3A_236 : vector<16xf32> to vector<32xbf16>
          %parallel_loop3A_238 = arith.index_cast %parallel_loop3A_211 : i32 to index
          %parallel_loop3A_239 = arith.constant 32 : index
          %parallel_loop3A_240 = tpu.vector_load %arg13[%parallel_loop3A_238, %parallel_loop3A_239] {strides = array<i32>} : memref<80x64xf32, #tpu.memory_space<vmem>>, vector<16xf32>,
          %parallel_loop3A_241 = vector.bitcast %parallel_loop3A_240 : vector<16xf32> to vector<32xbf16>
          %parallel_loop3A_242 = arith.mulf %parallel_loop3A_237, %parallel_loop3A_241 : vector<32xbf16>
          %parallel_loop3A_243 = tpu.unpack_subelements %parallel_loop3A_242, 0 {pack_format = #tpu.pack_format<interleaved>} : vector<32xbf16> -> vector<16xf32>
          %parallel_loop3A_244 = tpu.unpack_subelements %parallel_loop3A_242, 1 {pack_format = #tpu.pack_format<interleaved>} : vector<32xbf16> -> vector<16xf32>
          %parallel_loop3A_245 = arith.index_cast %parallel_loop3A_211 : i32 to index
          %parallel_loop3A_246 = arith.constant 48 : index
          %parallel_loop3A_247 = tpu.vector_load %arg11[%parallel_loop3A_245, %parallel_loop3A_246] {strides = array<i32>} : memref<80x64xf32, #tpu.memory_space<vmem>>, vector<16xf32>,
          %parallel_loop3A_248 = vector.bitcast %parallel_loop3A_247 : vector<16xf32> to vector<32xbf16>
          %parallel_loop3A_249 = arith.index_cast %parallel_loop3A_211 : i32 to index
          %parallel_loop3A_250 = arith.constant 48 : index
          %parallel_loop3A_251 = tpu.vector_load %arg13[%parallel_loop3A_249, %parallel_loop3A_250] {strides = array<i32>} : memref<80x64xf32, #tpu.memory_space<vmem>>, vector<16xf32>,
          %parallel_loop3A_252 = vector.bitcast %parallel_loop3A_251 : vector<16xf32> to vector<32xbf16>
          %parallel_loop3A_253 = arith.mulf %parallel_loop3A_248, %parallel_loop3A_252 : vector<32xbf16>
          %parallel_loop3A_254 = tpu.unpack_subelements %parallel_loop3A_253, 0 {pack_format = #tpu.pack_format<interleaved>} : vector<32xbf16> -> vector<16xf32>
          %parallel_loop3A_255 = tpu.unpack_subelements %parallel_loop3A_253, 1 {pack_format = #tpu.pack_format<interleaved>} : vector<32xbf16> -> vector<16xf32>
          %parallel_loop3A_256 = arith.addf %parallel_loop3A_221, %parallel_loop3A_222 : vector<16xf32>
          %parallel_loop3A_257 = arith.addf %parallel_loop3A_232, %parallel_loop3A_233 : vector<16xf32>
          %parallel_loop3A_258 = arith.addf %parallel_loop3A_256, %parallel_loop3A_257 : vector<16xf32>
          %parallel_loop3A_259 = arith.addf %parallel_loop3A_243, %parallel_loop3A_244 : vector<16xf32>
          %parallel_loop3A_260 = arith.addf %parallel_loop3A_254, %parallel_loop3A_255 : vector<16xf32>
          %parallel_loop3A_261 = arith.addf %parallel_loop3A_259, %parallel_loop3A_260 : vector<16xf32>
          %parallel_loop3A_262 = arith.addf %parallel_loop3A_258, %parallel_loop3A_261 : vector<16xf32>
          %parallel_loop3A_263 = arith.constant 0 : i32
          %parallel_loop3A_264 = vector.broadcast %parallel_loop3A_263 : i32 to vector<16xi32>
          %parallel_loop3A_265 = arith.cmpi slt, %xor3A_10, %parallel_loop3A_264 : vector<16xi32>
          %parallel_loop3A_266 = arith.constant 16 : i32
          %parallel_loop3A_267 = vector.broadcast %parallel_loop3A_266 : i32 to vector<16xi32>
          %parallel_loop3A_268 = arith.addi %xor3A_10, %parallel_loop3A_267 : vector<16xi32>
          %parallel_loop3A_269 = arith.select %parallel_loop3A_265, %parallel_loop3A_268, %xor3A_10 : vector<16xi1>, vector<16xi32>
          %parallel_loop3A_270 = vector.shape_cast %parallel_loop3A_269 : vector<16xi32> to vector<16x1xi32>
          %parallel_loop3A_271 = vector.shape_cast %parallel_loop3A_270 : vector<16x1xi32> to vector<16xi32>
          %parallel_loop3A_272 = tpu.dynamic_gather %parallel_loop3A_262[%parallel_loop3A_271] in [0] : vector<16xf32>, vector<16xi32> -> vector<16xf32>
          %parallel_loop3A_273 = arith.addf %parallel_loop3A_262, %parallel_loop3A_272 : vector<16xf32>
          %parallel_loop3A_274 = arith.select %lt3A_26, %parallel_loop3A_209, %parallel_loop3A_273 : vector<16xi1>, vector<16xf32>
          %parallel_loop3A_275 = arith.constant 0 : i32
          %parallel_loop3A_276 = vector.broadcast %parallel_loop3A_275 : i32 to vector<16xi32>
          %parallel_loop3A_277 = arith.cmpi slt, %xor3A_13, %parallel_loop3A_276 : vector<16xi32>
          %parallel_loop3A_278 = arith.constant 16 : i32
          %parallel_loop3A_279 = vector.broadcast %parallel_loop3A_278 : i32 to vector<16xi32>
          %parallel_loop3A_280 = arith.addi %xor3A_13, %parallel_loop3A_279 : vector<16xi32>
          %parallel_loop3A_281 = arith.select %parallel_loop3A_277, %parallel_loop3A_280, %xor3A_13 : vector<16xi1>, vector<16xi32>
          %parallel_loop3A_282 = vector.shape_cast %parallel_loop3A_281 : vector<16xi32> to vector<16x1xi32>
          %parallel_loop3A_283 = vector.shape_cast %parallel_loop3A_282 : vector<16x1xi32> to vector<16xi32>
          %parallel_loop3A_284 = tpu.dynamic_gather %parallel_loop3A_274[%parallel_loop3A_283] in [0] : vector<16xf32>, vector<16xi32> -> vector<16xf32>
          %parallel_loop3A_285 = arith.addf %parallel_loop3A_274, %parallel_loop3A_284 : vector<16xf32>
          %parallel_loop3A_286 = arith.constant 0 : i32
          %parallel_loop3A_287 = vector.broadcast %parallel_loop3A_286 : i32 to vector<16xi32>
          %parallel_loop3A_288 = arith.cmpi slt, %xor3A_16, %parallel_loop3A_287 : vector<16xi32>
          %parallel_loop3A_289 = arith.constant 16 : i32
          %parallel_loop3A_290 = vector.broadcast %parallel_loop3A_289 : i32 to vector<16xi32>
          %parallel_loop3A_291 = arith.addi %xor3A_16, %parallel_loop3A_290 : vector<16xi32>
          %parallel_loop3A_292 = arith.select %parallel_loop3A_288, %parallel_loop3A_291, %xor3A_16 : vector<16xi1>, vector<16xi32>
          %parallel_loop3A_293 = vector.shape_cast %parallel_loop3A_292 : vector<16xi32> to vector<16x1xi32>
          %parallel_loop3A_294 = vector.shape_cast %parallel_loop3A_293 : vector<16x1xi32> to vector<16xi32>
          %parallel_loop3A_295 = tpu.dynamic_gather %parallel_loop3A_285[%parallel_loop3A_294] in [0] : vector<16xf32>, vector<16xi32> -> vector<16xf32>
          %parallel_loop3A_296 = arith.addf %parallel_loop3A_285, %parallel_loop3A_295 : vector<16xf32>
          %parallel_loop3A_297 = arith.constant 0 : i32
          %parallel_loop3A_298 = vector.broadcast %parallel_loop3A_297 : i32 to vector<16xi32>
          %parallel_loop3A_299 = arith.cmpi slt, %xor3A_19, %parallel_loop3A_298 : vector<16xi32>
          %parallel_loop3A_300 = arith.constant 16 : i32
          %parallel_loop3A_301 = vector.broadcast %parallel_loop3A_300 : i32 to vector<16xi32>
          %parallel_loop3A_302 = arith.addi %xor3A_19, %parallel_loop3A_301 : vector<16xi32>
          %parallel_loop3A_303 = arith.select %parallel_loop3A_299, %parallel_loop3A_302, %xor3A_19 : vector<16xi1>, vector<16xi32>
          %parallel_loop3A_304 = vector.shape_cast %parallel_loop3A_303 : vector<16xi32> to vector<16x1xi32>
          %parallel_loop3A_305 = vector.shape_cast %parallel_loop3A_304 : vector<16x1xi32> to vector<16xi32>
          %parallel_loop3A_306 = tpu.dynamic_gather %parallel_loop3A_296[%parallel_loop3A_305] in [0] : vector<16xf32>, vector<16xi32> -> vector<16xf32>
          %parallel_loop3A_307 = arith.addf %parallel_loop3A_296, %parallel_loop3A_306 : vector<16xf32>
          %parallel_loop3A_308 = arith.constant 0 : i32
          %parallel_loop3A_309 = vector.broadcast %parallel_loop3A_308 : i32 to vector<16xi32>
          %parallel_loop3A_310 = arith.cmpi slt, %shift_left3A_23, %parallel_loop3A_309 : vector<16xi32>
          %parallel_loop3A_311 = arith.constant 16 : i32
          %parallel_loop3A_312 = vector.broadcast %parallel_loop3A_311 : i32 to vector<16xi32>
          %parallel_loop3A_313 = arith.addi %shift_left3A_23, %parallel_loop3A_312 : vector<16xi32>
          %parallel_loop3A_314 = arith.select %parallel_loop3A_310, %parallel_loop3A_313, %shift_left3A_23 : vector<16xi1>, vector<16xi32>
          %parallel_loop3A_315 = vector.shape_cast %parallel_loop3A_314 : vector<16xi32> to vector<16x1xi32>
          %parallel_loop3A_316 = vector.shape_cast %parallel_loop3A_315 : vector<16x1xi32> to vector<16xi32>
          %parallel_loop3A_317 = tpu.dynamic_gather %parallel_loop3A_307[%parallel_loop3A_316] in [0] : vector<16xf32>, vector<16xi32> -> vector<16xf32>
          %parallel_loop3A_318 = arith.constant 1 : i32
          %parallel_loop3A_319 = vector.broadcast %parallel_loop3A_318 : i32 to vector<16xi32>
          %parallel_loop3A_320 = arith.shrsi %iota3A, %parallel_loop3A_319 : vector<16xi32>
          %parallel_loop3A_321 = vector.broadcast %parallel_loop3A_141 : i32 to vector<16xi32>
          %parallel_loop3A_322 = arith.cmpi eq, %parallel_loop3A_320, %parallel_loop3A_321 : vector<16xi32>
          %parallel_loop3A_323 = arith.select %parallel_loop3A_322, %parallel_loop3A_317, %parallel_loop3A_142 : vector<16xi1>, vector<16xf32>
          scf.yield %parallel_loop3A_323 : vector<16xf32>
        } {sc.loop_unroll_factor = 2 : i64, sc.parallel_access}
        %parallel_loop3A_123 = arith.constant 80 : i32
        %parallel_loop3A_124 = arith.muli %mul3A_57, %parallel_loop3A_123 : i32
        %parallel_loop3A_125 = arith.constant 16 : i32
        %parallel_loop3A_126 = arith.muli %parallel_loop3A_118, %parallel_loop3A_125 : i32
        %parallel_loop3A_127 = arith.addi %parallel_loop3A_124, %parallel_loop3A_126 : i32
        %parallel_loop3A_128 = arith.index_cast %parallel_loop3A_127 : i32 to index
        %parallel_loop3A_129 = tpu.vector_load %arg8[%parallel_loop3A_128] {strides = array<i32>} : memref<10000xi32, #tpu.memory_space<vmem>>, vector<16xi32>,
        %parallel_loop3A_130 = arith.index_cast %parallel_loop3A_127 : i32 to index
        %parallel_loop3A_131 = tpu.vector_load %arg9[%parallel_loop3A_130] {strides = array<i32>} : memref<10000xi32, #tpu.memory_space<vmem>>, vector<16xi32>,
        %parallel_loop3A_132 = tpu.vector_load_idx %arg7[%parallel_loop3A_129] : memref<10000xf32, #tpu.memory_space<vmem>>[vector<16xi32>], vector<16xf32>,
        %parallel_loop3A_133 = tpu.vector_load_idx %arg7[%parallel_loop3A_131] : memref<10000xf32, #tpu.memory_space<vmem>>[vector<16xi32>], vector<16xf32>,
        %parallel_loop3A_134 = arith.mulf %parallel_loop3A_132, %parallel_loop3A_133 : vector<16xf32>
        %parallel_loop3A_135 = arith.constant 9.99999997E-7 : f32
        %parallel_loop3A_136 = vector.broadcast %parallel_loop3A_135 : f32 to vector<16xf32>
        %parallel_loop3A_137 = arith.maximumf %parallel_loop3A_134, %parallel_loop3A_136 : vector<16xf32>
        %parallel_loop3A_138 = arith.divf %parallel_loop3A_122, %parallel_loop3A_137 : vector<16xf32>
        %parallel_loop3A_139 = arith.index_cast %parallel_loop3A_127 : i32 to index
        %parallel_loop3A_140 = tpu.vector_load %arg10[%parallel_loop3A_139] {strides = array<i32>} : memref<10000xf32, #tpu.memory_space<vmem>>, vector<16xf32>,
        tpu.vector_store %arg10[%parallel_loop3A_139], %parallel_loop3A_138 {strides = array<i32>} : memref<10000xf32, #tpu.memory_space<vmem>>, vector<16xf32>,
      } {sc.loop_unroll_factor = 1 : i64, sc.parallel_access}
      %add3A_87 = arith.constant 2 : i32
      %add3A_88 = arith.addi %mul3A_57, %add3A_87 : i32
      %mul3A_89 = arith.constant 80 : i32
      %mul3A_90 = arith.muli %add3A_88, %mul3A_89 : i32
      %dma_start3A_91 = tpu.memref_slice %arg8[%mul3A_90] : memref<10000xi32, #tpu.memory_space<vmem>> -> memref<80xi32, #tpu.memory_space<vmem>>
      %dma_start3A_92 = arith.constant 0 : i32
      %dma_start3A_93 = arith.constant 0 : i32
      %dma_start3A_94 = tpu.memref_slice %arg15[%dma_start3A_92, %dma_start3A_93] : memref<10000x64xf32, #tpu.memory_space<vmem_shared>> -> memref<10000x64xf32, #tpu.memory_space<vmem_shared>>
      tpu.enqueue_indirect_dma source(%dma_start3A_94 : memref<10000x64xf32, #tpu.memory_space<vmem_shared>>) target(%arg11 : memref<80x64xf32, #tpu.memory_space<vmem>>) offsets(%dma_start3A_91 : memref<80xi32, #tpu.memory_space<vmem>>) semaphore(%arg16 : memref<!tpu.dma_semaphore, #tpu.memory_space<semaphore_mem>>)
      %mul3A_95 = arith.constant 80 : i32
      %mul3A_96 = arith.muli %add3A_88, %mul3A_95 : i32
      %dma_start3A_97 = tpu.memref_slice %arg9[%mul3A_96] : memref<10000xi32, #tpu.memory_space<vmem>> -> memref<80xi32, #tpu.memory_space<vmem>>
      %dma_start3A_98 = arith.constant 0 : i32
      %dma_start3A_99 = arith.constant 0 : i32
      %dma_start3A_100 = tpu.memref_slice %arg15[%dma_start3A_98, %dma_start3A_99] : memref<10000x64xf32, #tpu.memory_space<vmem_shared>> -> memref<10000x64xf32, #tpu.memory_space<vmem_shared>>
      tpu.enqueue_indirect_dma source(%dma_start3A_100 : memref<10000x64xf32, #tpu.memory_space<vmem_shared>>) target(%arg13 : memref<80x64xf32, #tpu.memory_space<vmem>>) offsets(%dma_start3A_97 : memref<80xi32, #tpu.memory_space<vmem>>) semaphore(%arg16 : memref<!tpu.dma_semaphore, #tpu.memory_space<semaphore_mem>>)
      %dma_wait3A_101 = arith.constant 0 : i32
      %dma_wait3A_102 = arith.constant 0 : i32
      %dma_wait3A_103 = tpu.memref_slice %arg2[%dma_wait3A_101, %dma_wait3A_102] : memref<10000x64xf32, #tpu.memory_space<hbm>> -> memref<80x64xf32, #tpu.memory_space<hbm>>
      %dma_wait3A_104 = arith.constant 0 : i32
      %dma_wait3A_105 = arith.constant 0 : i32
      %dma_wait3A_106 = tpu.memref_slice %arg2[%dma_wait3A_104, %dma_wait3A_105] : memref<10000x64xf32, #tpu.memory_space<hbm>> -> memref<80x64xf32, #tpu.memory_space<hbm>>
      tpu.wait_dma2 semaphore(%arg17 : memref<!tpu.dma_semaphore, #tpu.memory_space<semaphore_mem>>) src(%dma_wait3A_106 : memref<80x64xf32, #tpu.memory_space<hbm>>) dst(%arg12 : memref<80x64xf32, #tpu.memory_space<vmem>>)
      %dma_wait3A_107 = arith.constant 0 : i32
      %dma_wait3A_108 = arith.constant 0 : i32
      %dma_wait3A_109 = tpu.memref_slice %arg2[%dma_wait3A_107, %dma_wait3A_108] : memref<10000x64xf32, #tpu.memory_space<hbm>> -> memref<80x64xf32, #tpu.memory_space<hbm>>
      %dma_wait3A_110 = arith.constant 0 : i32
      %dma_wait3A_111 = arith.constant 0 : i32
      %dma_wait3A_112 = tpu.memref_slice %arg2[%dma_wait3A_110, %dma_wait3A_111] : memref<10000x64xf32, #tpu.memory_space<hbm>> -> memref<80x64xf32, #tpu.memory_space<hbm>>
      tpu.wait_dma2 semaphore(%arg17 : memref<!tpu.dma_semaphore, #tpu.memory_space<semaphore_mem>>) src(%dma_wait3A_112 : memref<80x64xf32, #tpu.memory_space<hbm>>) dst(%arg14 : memref<80x64xf32, #tpu.memory_space<vmem>>)
      %add3A_113 = arith.constant 1 : i32
      %add3A_114 = arith.addi %mul3A_57, %add3A_113 : i32
      %parallel_loop3A_115 = arith.constant 0 : i32
      %parallel_loop3A_116 = arith.constant 5 : i32
      %parallel_loop3A_117 = arith.constant 1 : i32
      scf.for %parallel_loop3A_118 = %parallel_loop3A_115 to %parallel_loop3A_116 step %parallel_loop3A_117  : i32 {
        %parallel_loop3A_119 = arith.constant 0 : i32
        %parallel_loop3A_120 = arith.constant 8 : i32
        %parallel_loop3A_121 = arith.constant 1 : i32
        %parallel_loop3A_122 = scf.for %parallel_loop3A_141 = %parallel_loop3A_119 to %parallel_loop3A_120 step %parallel_loop3A_121 iter_args(%parallel_loop3A_142 = %broadcast_in_dim3A_27) -> (vector<16xf32>)  : i32 {
          %parallel_loop3A_143 = arith.constant 16 : i32
          %parallel_loop3A_144 = arith.muli %parallel_loop3A_118, %parallel_loop3A_143 : i32
          %parallel_loop3A_145 = arith.constant 2 : i32
          %parallel_loop3A_146 = arith.muli %parallel_loop3A_141, %parallel_loop3A_145 : i32
          %parallel_loop3A_147 = arith.addi %parallel_loop3A_144, %parallel_loop3A_146 : i32
          %parallel_loop3A_148 = arith.index_cast %parallel_loop3A_147 : i32 to index
          %parallel_loop3A_149 = arith.constant 0 : index
          %parallel_loop3A_150 = tpu.vector_load %arg12[%parallel_loop3A_148, %parallel_loop3A_149] {strides = array<i32>} : memref<80x64xf32, #tpu.memory_space<vmem>>, vector<16xf32>,
          %parallel_loop3A_151 = vector.bitcast %parallel_loop3A_150 : vector<16xf32> to vector<32xbf16>
          %parallel_loop3A_152 = arith.index_cast %parallel_loop3A_147 : i32 to index
          %parallel_loop3A_153 = arith.constant 0 : index
          %parallel_loop3A_154 = tpu.vector_load %arg14[%parallel_loop3A_152, %parallel_loop3A_153] {strides = array<i32>} : memref<80x64xf32, #tpu.memory_space<vmem>>, vector<16xf32>,
          %parallel_loop3A_155 = vector.bitcast %parallel_loop3A_154 : vector<16xf32> to vector<32xbf16>
          %parallel_loop3A_156 = arith.mulf %parallel_loop3A_151, %parallel_loop3A_155 : vector<32xbf16>
          %parallel_loop3A_157 = tpu.unpack_subelements %parallel_loop3A_156, 0 {pack_format = #tpu.pack_format<interleaved>} : vector<32xbf16> -> vector<16xf32>
          %parallel_loop3A_158 = tpu.unpack_subelements %parallel_loop3A_156, 1 {pack_format = #tpu.pack_format<interleaved>} : vector<32xbf16> -> vector<16xf32>
          %parallel_loop3A_159 = arith.index_cast %parallel_loop3A_147 : i32 to index
          %parallel_loop3A_160 = arith.constant 16 : index
          %parallel_loop3A_161 = tpu.vector_load %arg12[%parallel_loop3A_159, %parallel_loop3A_160] {strides = array<i32>} : memref<80x64xf32, #tpu.memory_space<vmem>>, vector<16xf32>,
          %parallel_loop3A_162 = vector.bitcast %parallel_loop3A_161 : vector<16xf32> to vector<32xbf16>
          %parallel_loop3A_163 = arith.index_cast %parallel_loop3A_147 : i32 to index
          %parallel_loop3A_164 = arith.constant 16 : index
          %parallel_loop3A_165 = tpu.vector_load %arg14[%parallel_loop3A_163, %parallel_loop3A_164] {strides = array<i32>} : memref<80x64xf32, #tpu.memory_space<vmem>>, vector<16xf32>,
          %parallel_loop3A_166 = vector.bitcast %parallel_loop3A_165 : vector<16xf32> to vector<32xbf16>
          %parallel_loop3A_167 = arith.mulf %parallel_loop3A_162, %parallel_loop3A_166 : vector<32xbf16>
          %parallel_loop3A_168 = tpu.unpack_subelements %parallel_loop3A_167, 0 {pack_format = #tpu.pack_format<interleaved>} : vector<32xbf16> -> vector<16xf32>
          %parallel_loop3A_169 = tpu.unpack_subelements %parallel_loop3A_167, 1 {pack_format = #tpu.pack_format<interleaved>} : vector<32xbf16> -> vector<16xf32>
          %parallel_loop3A_170 = arith.index_cast %parallel_loop3A_147 : i32 to index
          %parallel_loop3A_171 = arith.constant 32 : index
          %parallel_loop3A_172 = tpu.vector_load %arg12[%parallel_loop3A_170, %parallel_loop3A_171] {strides = array<i32>} : memref<80x64xf32, #tpu.memory_space<vmem>>, vector<16xf32>,
          %parallel_loop3A_173 = vector.bitcast %parallel_loop3A_172 : vector<16xf32> to vector<32xbf16>
          %parallel_loop3A_174 = arith.index_cast %parallel_loop3A_147 : i32 to index
          %parallel_loop3A_175 = arith.constant 32 : index
          %parallel_loop3A_176 = tpu.vector_load %arg14[%parallel_loop3A_174, %parallel_loop3A_175] {strides = array<i32>} : memref<80x64xf32, #tpu.memory_space<vmem>>, vector<16xf32>,
          %parallel_loop3A_177 = vector.bitcast %parallel_loop3A_176 : vector<16xf32> to vector<32xbf16>
          %parallel_loop3A_178 = arith.mulf %parallel_loop3A_173, %parallel_loop3A_177 : vector<32xbf16>
          %parallel_loop3A_179 = tpu.unpack_subelements %parallel_loop3A_178, 0 {pack_format = #tpu.pack_format<interleaved>} : vector<32xbf16> -> vector<16xf32>
          %parallel_loop3A_180 = tpu.unpack_subelements %parallel_loop3A_178, 1 {pack_format = #tpu.pack_format<interleaved>} : vector<32xbf16> -> vector<16xf32>
          %parallel_loop3A_181 = arith.index_cast %parallel_loop3A_147 : i32 to index
          %parallel_loop3A_182 = arith.constant 48 : index
          %parallel_loop3A_183 = tpu.vector_load %arg12[%parallel_loop3A_181, %parallel_loop3A_182] {strides = array<i32>} : memref<80x64xf32, #tpu.memory_space<vmem>>, vector<16xf32>,
          %parallel_loop3A_184 = vector.bitcast %parallel_loop3A_183 : vector<16xf32> to vector<32xbf16>
          %parallel_loop3A_185 = arith.index_cast %parallel_loop3A_147 : i32 to index
          %parallel_loop3A_186 = arith.constant 48 : index
          %parallel_loop3A_187 = tpu.vector_load %arg14[%parallel_loop3A_185, %parallel_loop3A_186] {strides = array<i32>} : memref<80x64xf32, #tpu.memory_space<vmem>>, vector<16xf32>,
          %parallel_loop3A_188 = vector.bitcast %parallel_loop3A_187 : vector<16xf32> to vector<32xbf16>
          %parallel_loop3A_189 = arith.mulf %parallel_loop3A_184, %parallel_loop3A_188 : vector<32xbf16>
          %parallel_loop3A_190 = tpu.unpack_subelements %parallel_loop3A_189, 0 {pack_format = #tpu.pack_format<interleaved>} : vector<32xbf16> -> vector<16xf32>
          %parallel_loop3A_191 = tpu.unpack_subelements %parallel_loop3A_189, 1 {pack_format = #tpu.pack_format<interleaved>} : vector<32xbf16> -> vector<16xf32>
          %parallel_loop3A_192 = arith.addf %parallel_loop3A_157, %parallel_loop3A_158 : vector<16xf32>
          %parallel_loop3A_193 = arith.addf %parallel_loop3A_168, %parallel_loop3A_169 : vector<16xf32>
          %parallel_loop3A_194 = arith.addf %parallel_loop3A_192, %parallel_loop3A_193 : vector<16xf32>
          %parallel_loop3A_195 = arith.addf %parallel_loop3A_179, %parallel_loop3A_180 : vector<16xf32>
          %parallel_loop3A_196 = arith.addf %parallel_loop3A_190, %parallel_loop3A_191 : vector<16xf32>
          %parallel_loop3A_197 = arith.addf %parallel_loop3A_195, %parallel_loop3A_196 : vector<16xf32>
          %parallel_loop3A_198 = arith.addf %parallel_loop3A_194, %parallel_loop3A_197 : vector<16xf32>
          %parallel_loop3A_199 = arith.constant 0 : i32
          %parallel_loop3A_200 = vector.broadcast %parallel_loop3A_199 : i32 to vector<16xi32>
          %parallel_loop3A_201 = arith.cmpi slt, %xor3A_10, %parallel_loop3A_200 : vector<16xi32>
          %parallel_loop3A_202 = arith.constant 16 : i32
          %parallel_loop3A_203 = vector.broadcast %parallel_loop3A_202 : i32 to vector<16xi32>
          %parallel_loop3A_204 = arith.addi %xor3A_10, %parallel_loop3A_203 : vector<16xi32>
          %parallel_loop3A_205 = arith.select %parallel_loop3A_201, %parallel_loop3A_204, %xor3A_10 : vector<16xi1>, vector<16xi32>
          %parallel_loop3A_206 = vector.shape_cast %parallel_loop3A_205 : vector<16xi32> to vector<16x1xi32>
          %parallel_loop3A_207 = vector.shape_cast %parallel_loop3A_206 : vector<16x1xi32> to vector<16xi32>
          %parallel_loop3A_208 = tpu.dynamic_gather %parallel_loop3A_198[%parallel_loop3A_207] in [0] : vector<16xf32>, vector<16xi32> -> vector<16xf32>
          %parallel_loop3A_209 = arith.addf %parallel_loop3A_198, %parallel_loop3A_208 : vector<16xf32>
          %parallel_loop3A_210 = arith.constant 1 : i32
          %parallel_loop3A_211 = arith.addi %parallel_loop3A_147, %parallel_loop3A_210 : i32
          %parallel_loop3A_212 = arith.index_cast %parallel_loop3A_211 : i32 to index
          %parallel_loop3A_213 = arith.constant 0 : index
          %parallel_loop3A_214 = tpu.vector_load %arg12[%parallel_loop3A_212, %parallel_loop3A_213] {strides = array<i32>} : memref<80x64xf32, #tpu.memory_space<vmem>>, vector<16xf32>,
          %parallel_loop3A_215 = vector.bitcast %parallel_loop3A_214 : vector<16xf32> to vector<32xbf16>
          %parallel_loop3A_216 = arith.index_cast %parallel_loop3A_211 : i32 to index
          %parallel_loop3A_217 = arith.constant 0 : index
          %parallel_loop3A_218 = tpu.vector_load %arg14[%parallel_loop3A_216, %parallel_loop3A_217] {strides = array<i32>} : memref<80x64xf32, #tpu.memory_space<vmem>>, vector<16xf32>,
          %parallel_loop3A_219 = vector.bitcast %parallel_loop3A_218 : vector<16xf32> to vector<32xbf16>
          %parallel_loop3A_220 = arith.mulf %parallel_loop3A_215, %parallel_loop3A_219 : vector<32xbf16>
          %parallel_loop3A_221 = tpu.unpack_subelements %parallel_loop3A_220, 0 {pack_format = #tpu.pack_format<interleaved>} : vector<32xbf16> -> vector<16xf32>
          %parallel_loop3A_222 = tpu.unpack_subelements %parallel_loop3A_220, 1 {pack_format = #tpu.pack_format<interleaved>} : vector<32xbf16> -> vector<16xf32>
          %parallel_loop3A_223 = arith.index_cast %parallel_loop3A_211 : i32 to index
          %parallel_loop3A_224 = arith.constant 16 : index
          %parallel_loop3A_225 = tpu.vector_load %arg12[%parallel_loop3A_223, %parallel_loop3A_224] {strides = array<i32>} : memref<80x64xf32, #tpu.memory_space<vmem>>, vector<16xf32>,
          %parallel_loop3A_226 = vector.bitcast %parallel_loop3A_225 : vector<16xf32> to vector<32xbf16>
          %parallel_loop3A_227 = arith.index_cast %parallel_loop3A_211 : i32 to index
          %parallel_loop3A_228 = arith.constant 16 : index
          %parallel_loop3A_229 = tpu.vector_load %arg14[%parallel_loop3A_227, %parallel_loop3A_228] {strides = array<i32>} : memref<80x64xf32, #tpu.memory_space<vmem>>, vector<16xf32>,
          %parallel_loop3A_230 = vector.bitcast %parallel_loop3A_229 : vector<16xf32> to vector<32xbf16>
          %parallel_loop3A_231 = arith.mulf %parallel_loop3A_226, %parallel_loop3A_230 : vector<32xbf16>
          %parallel_loop3A_232 = tpu.unpack_subelements %parallel_loop3A_231, 0 {pack_format = #tpu.pack_format<interleaved>} : vector<32xbf16> -> vector<16xf32>
          %parallel_loop3A_233 = tpu.unpack_subelements %parallel_loop3A_231, 1 {pack_format = #tpu.pack_format<interleaved>} : vector<32xbf16> -> vector<16xf32>
          %parallel_loop3A_234 = arith.index_cast %parallel_loop3A_211 : i32 to index
          %parallel_loop3A_235 = arith.constant 32 : index
          %parallel_loop3A_236 = tpu.vector_load %arg12[%parallel_loop3A_234, %parallel_loop3A_235] {strides = array<i32>} : memref<80x64xf32, #tpu.memory_space<vmem>>, vector<16xf32>,
          %parallel_loop3A_237 = vector.bitcast %parallel_loop3A_236 : vector<16xf32> to vector<32xbf16>
          %parallel_loop3A_238 = arith.index_cast %parallel_loop3A_211 : i32 to index
          %parallel_loop3A_239 = arith.constant 32 : index
          %parallel_loop3A_240 = tpu.vector_load %arg14[%parallel_loop3A_238, %parallel_loop3A_239] {strides = array<i32>} : memref<80x64xf32, #tpu.memory_space<vmem>>, vector<16xf32>,
          %parallel_loop3A_241 = vector.bitcast %parallel_loop3A_240 : vector<16xf32> to vector<32xbf16>
          %parallel_loop3A_242 = arith.mulf %parallel_loop3A_237, %parallel_loop3A_241 : vector<32xbf16>
          %parallel_loop3A_243 = tpu.unpack_subelements %parallel_loop3A_242, 0 {pack_format = #tpu.pack_format<interleaved>} : vector<32xbf16> -> vector<16xf32>
          %parallel_loop3A_244 = tpu.unpack_subelements %parallel_loop3A_242, 1 {pack_format = #tpu.pack_format<interleaved>} : vector<32xbf16> -> vector<16xf32>
          %parallel_loop3A_245 = arith.index_cast %parallel_loop3A_211 : i32 to index
          %parallel_loop3A_246 = arith.constant 48 : index
          %parallel_loop3A_247 = tpu.vector_load %arg12[%parallel_loop3A_245, %parallel_loop3A_246] {strides = array<i32>} : memref<80x64xf32, #tpu.memory_space<vmem>>, vector<16xf32>,
          %parallel_loop3A_248 = vector.bitcast %parallel_loop3A_247 : vector<16xf32> to vector<32xbf16>
          %parallel_loop3A_249 = arith.index_cast %parallel_loop3A_211 : i32 to index
          %parallel_loop3A_250 = arith.constant 48 : index
          %parallel_loop3A_251 = tpu.vector_load %arg14[%parallel_loop3A_249, %parallel_loop3A_250] {strides = array<i32>} : memref<80x64xf32, #tpu.memory_space<vmem>>, vector<16xf32>,
          %parallel_loop3A_252 = vector.bitcast %parallel_loop3A_251 : vector<16xf32> to vector<32xbf16>
          %parallel_loop3A_253 = arith.mulf %parallel_loop3A_248, %parallel_loop3A_252 : vector<32xbf16>
          %parallel_loop3A_254 = tpu.unpack_subelements %parallel_loop3A_253, 0 {pack_format = #tpu.pack_format<interleaved>} : vector<32xbf16> -> vector<16xf32>
          %parallel_loop3A_255 = tpu.unpack_subelements %parallel_loop3A_253, 1 {pack_format = #tpu.pack_format<interleaved>} : vector<32xbf16> -> vector<16xf32>
          %parallel_loop3A_256 = arith.addf %parallel_loop3A_221, %parallel_loop3A_222 : vector<16xf32>
          %parallel_loop3A_257 = arith.addf %parallel_loop3A_232, %parallel_loop3A_233 : vector<16xf32>
          %parallel_loop3A_258 = arith.addf %parallel_loop3A_256, %parallel_loop3A_257 : vector<16xf32>
          %parallel_loop3A_259 = arith.addf %parallel_loop3A_243, %parallel_loop3A_244 : vector<16xf32>
          %parallel_loop3A_260 = arith.addf %parallel_loop3A_254, %parallel_loop3A_255 : vector<16xf32>
          %parallel_loop3A_261 = arith.addf %parallel_loop3A_259, %parallel_loop3A_260 : vector<16xf32>
          %parallel_loop3A_262 = arith.addf %parallel_loop3A_258, %parallel_loop3A_261 : vector<16xf32>
          %parallel_loop3A_263 = arith.constant 0 : i32
          %parallel_loop3A_264 = vector.broadcast %parallel_loop3A_263 : i32 to vector<16xi32>
          %parallel_loop3A_265 = arith.cmpi slt, %xor3A_10, %parallel_loop3A_264 : vector<16xi32>
          %parallel_loop3A_266 = arith.constant 16 : i32
          %parallel_loop3A_267 = vector.broadcast %parallel_loop3A_266 : i32 to vector<16xi32>
          %parallel_loop3A_268 = arith.addi %xor3A_10, %parallel_loop3A_267 : vector<16xi32>
          %parallel_loop3A_269 = arith.select %parallel_loop3A_265, %parallel_loop3A_268, %xor3A_10 : vector<16xi1>, vector<16xi32>
          %parallel_loop3A_270 = vector.shape_cast %parallel_loop3A_269 : vector<16xi32> to vector<16x1xi32>
          %parallel_loop3A_271 = vector.shape_cast %parallel_loop3A_270 : vector<16x1xi32> to vector<16xi32>
          %parallel_loop3A_272 = tpu.dynamic_gather %parallel_loop3A_262[%parallel_loop3A_271] in [0] : vector<16xf32>, vector<16xi32> -> vector<16xf32>
          %parallel_loop3A_273 = arith.addf %parallel_loop3A_262, %parallel_loop3A_272 : vector<16xf32>
          %parallel_loop3A_274 = arith.select %lt3A_26, %parallel_loop3A_209, %parallel_loop3A_273 : vector<16xi1>, vector<16xf32>
          %parallel_loop3A_275 = arith.constant 0 : i32
          %parallel_loop3A_276 = vector.broadcast %parallel_loop3A_275 : i32 to vector<16xi32>
          %parallel_loop3A_277 = arith.cmpi slt, %xor3A_13, %parallel_loop3A_276 : vector<16xi32>
          %parallel_loop3A_278 = arith.constant 16 : i32
          %parallel_loop3A_279 = vector.broadcast %parallel_loop3A_278 : i32 to vector<16xi32>
          %parallel_loop3A_280 = arith.addi %xor3A_13, %parallel_loop3A_279 : vector<16xi32>
          %parallel_loop3A_281 = arith.select %parallel_loop3A_277, %parallel_loop3A_280, %xor3A_13 : vector<16xi1>, vector<16xi32>
          %parallel_loop3A_282 = vector.shape_cast %parallel_loop3A_281 : vector<16xi32> to vector<16x1xi32>
          %parallel_loop3A_283 = vector.shape_cast %parallel_loop3A_282 : vector<16x1xi32> to vector<16xi32>
          %parallel_loop3A_284 = tpu.dynamic_gather %parallel_loop3A_274[%parallel_loop3A_283] in [0] : vector<16xf32>, vector<16xi32> -> vector<16xf32>
          %parallel_loop3A_285 = arith.addf %parallel_loop3A_274, %parallel_loop3A_284 : vector<16xf32>
          %parallel_loop3A_286 = arith.constant 0 : i32
          %parallel_loop3A_287 = vector.broadcast %parallel_loop3A_286 : i32 to vector<16xi32>
          %parallel_loop3A_288 = arith.cmpi slt, %xor3A_16, %parallel_loop3A_287 : vector<16xi32>
          %parallel_loop3A_289 = arith.constant 16 : i32
          %parallel_loop3A_290 = vector.broadcast %parallel_loop3A_289 : i32 to vector<16xi32>
          %parallel_loop3A_291 = arith.addi %xor3A_16, %parallel_loop3A_290 : vector<16xi32>
          %parallel_loop3A_292 = arith.select %parallel_loop3A_288, %parallel_loop3A_291, %xor3A_16 : vector<16xi1>, vector<16xi32>
          %parallel_loop3A_293 = vector.shape_cast %parallel_loop3A_292 : vector<16xi32> to vector<16x1xi32>
          %parallel_loop3A_294 = vector.shape_cast %parallel_loop3A_293 : vector<16x1xi32> to vector<16xi32>
          %parallel_loop3A_295 = tpu.dynamic_gather %parallel_loop3A_285[%parallel_loop3A_294] in [0] : vector<16xf32>, vector<16xi32> -> vector<16xf32>
          %parallel_loop3A_296 = arith.addf %parallel_loop3A_285, %parallel_loop3A_295 : vector<16xf32>
          %parallel_loop3A_297 = arith.constant 0 : i32
          %parallel_loop3A_298 = vector.broadcast %parallel_loop3A_297 : i32 to vector<16xi32>
          %parallel_loop3A_299 = arith.cmpi slt, %xor3A_19, %parallel_loop3A_298 : vector<16xi32>
          %parallel_loop3A_300 = arith.constant 16 : i32
          %parallel_loop3A_301 = vector.broadcast %parallel_loop3A_300 : i32 to vector<16xi32>
          %parallel_loop3A_302 = arith.addi %xor3A_19, %parallel_loop3A_301 : vector<16xi32>
          %parallel_loop3A_303 = arith.select %parallel_loop3A_299, %parallel_loop3A_302, %xor3A_19 : vector<16xi1>, vector<16xi32>
          %parallel_loop3A_304 = vector.shape_cast %parallel_loop3A_303 : vector<16xi32> to vector<16x1xi32>
          %parallel_loop3A_305 = vector.shape_cast %parallel_loop3A_304 : vector<16x1xi32> to vector<16xi32>
          %parallel_loop3A_306 = tpu.dynamic_gather %parallel_loop3A_296[%parallel_loop3A_305] in [0] : vector<16xf32>, vector<16xi32> -> vector<16xf32>
          %parallel_loop3A_307 = arith.addf %parallel_loop3A_296, %parallel_loop3A_306 : vector<16xf32>
          %parallel_loop3A_308 = arith.constant 0 : i32
          %parallel_loop3A_309 = vector.broadcast %parallel_loop3A_308 : i32 to vector<16xi32>
          %parallel_loop3A_310 = arith.cmpi slt, %shift_left3A_23, %parallel_loop3A_309 : vector<16xi32>
          %parallel_loop3A_311 = arith.constant 16 : i32
          %parallel_loop3A_312 = vector.broadcast %parallel_loop3A_311 : i32 to vector<16xi32>
          %parallel_loop3A_313 = arith.addi %shift_left3A_23, %parallel_loop3A_312 : vector<16xi32>
          %parallel_loop3A_314 = arith.select %parallel_loop3A_310, %parallel_loop3A_313, %shift_left3A_23 : vector<16xi1>, vector<16xi32>
          %parallel_loop3A_315 = vector.shape_cast %parallel_loop3A_314 : vector<16xi32> to vector<16x1xi32>
          %parallel_loop3A_316 = vector.shape_cast %parallel_loop3A_315 : vector<16x1xi32> to vector<16xi32>
          %parallel_loop3A_317 = tpu.dynamic_gather %parallel_loop3A_307[%parallel_loop3A_316] in [0] : vector<16xf32>, vector<16xi32> -> vector<16xf32>
          %parallel_loop3A_318 = arith.constant 1 : i32
          %parallel_loop3A_319 = vector.broadcast %parallel_loop3A_318 : i32 to vector<16xi32>
          %parallel_loop3A_320 = arith.shrsi %iota3A, %parallel_loop3A_319 : vector<16xi32>
          %parallel_loop3A_321 = vector.broadcast %parallel_loop3A_141 : i32 to vector<16xi32>
          %parallel_loop3A_322 = arith.cmpi eq, %parallel_loop3A_320, %parallel_loop3A_321 : vector<16xi32>
          %parallel_loop3A_323 = arith.select %parallel_loop3A_322, %parallel_loop3A_317, %parallel_loop3A_142 : vector<16xi1>, vector<16xf32>
          scf.yield %parallel_loop3A_323 : vector<16xf32>
        } {sc.loop_unroll_factor = 2 : i64, sc.parallel_access}
        %parallel_loop3A_123 = arith.constant 80 : i32
        %parallel_loop3A_124 = arith.muli %add3A_114, %parallel_loop3A_123 : i32
        %parallel_loop3A_125 = arith.constant 16 : i32
        %parallel_loop3A_126 = arith.muli %parallel_loop3A_118, %parallel_loop3A_125 : i32
        %parallel_loop3A_127 = arith.addi %parallel_loop3A_124, %parallel_loop3A_126 : i32
        %parallel_loop3A_128 = arith.index_cast %parallel_loop3A_127 : i32 to index
        %parallel_loop3A_129 = tpu.vector_load %arg8[%parallel_loop3A_128] {strides = array<i32>} : memref<10000xi32, #tpu.memory_space<vmem>>, vector<16xi32>,
        %parallel_loop3A_130 = arith.index_cast %parallel_loop3A_127 : i32 to index
        %parallel_loop3A_131 = tpu.vector_load %arg9[%parallel_loop3A_130] {strides = array<i32>} : memref<10000xi32, #tpu.memory_space<vmem>>, vector<16xi32>,
        %parallel_loop3A_132 = tpu.vector_load_idx %arg7[%parallel_loop3A_129] : memref<10000xf32, #tpu.memory_space<vmem>>[vector<16xi32>], vector<16xf32>,
        %parallel_loop3A_133 = tpu.vector_load_idx %arg7[%parallel_loop3A_131] : memref<10000xf32, #tpu.memory_space<vmem>>[vector<16xi32>], vector<16xf32>,
        %parallel_loop3A_134 = arith.mulf %parallel_loop3A_132, %parallel_loop3A_133 : vector<16xf32>
        %parallel_loop3A_135 = arith.constant 9.99999997E-7 : f32
        %parallel_loop3A_136 = vector.broadcast %parallel_loop3A_135 : f32 to vector<16xf32>
        %parallel_loop3A_137 = arith.maximumf %parallel_loop3A_134, %parallel_loop3A_136 : vector<16xf32>
        %parallel_loop3A_138 = arith.divf %parallel_loop3A_122, %parallel_loop3A_137 : vector<16xf32>
        %parallel_loop3A_139 = arith.index_cast %parallel_loop3A_127 : i32 to index
        %parallel_loop3A_140 = tpu.vector_load %arg10[%parallel_loop3A_139] {strides = array<i32>} : memref<10000xf32, #tpu.memory_space<vmem>>, vector<16xf32>,
        tpu.vector_store %arg10[%parallel_loop3A_139], %parallel_loop3A_138 {strides = array<i32>} : memref<10000xf32, #tpu.memory_space<vmem>>, vector<16xf32>,
      } {sc.loop_unroll_factor = 1 : i64, sc.parallel_access}
    }
    %scan3A_41 = arith.constant 62 : i32
    %dma_wait3A = arith.constant 0 : i32
    %dma_wait3A_42 = arith.constant 0 : i32
    %dma_wait3A_43 = tpu.memref_slice %arg2[%dma_wait3A, %dma_wait3A_42] : memref<10000x64xf32, #tpu.memory_space<hbm>> -> memref<80x64xf32, #tpu.memory_space<hbm>>
    %dma_wait3A_44 = arith.constant 0 : i32
    %dma_wait3A_45 = arith.constant 0 : i32
    %dma_wait3A_46 = tpu.memref_slice %arg2[%dma_wait3A_44, %dma_wait3A_45] : memref<10000x64xf32, #tpu.memory_space<hbm>> -> memref<80x64xf32, #tpu.memory_space<hbm>>
    tpu.wait_dma2 semaphore(%arg16 : memref<!tpu.dma_semaphore, #tpu.memory_space<semaphore_mem>>) src(%dma_wait3A_46 : memref<80x64xf32, #tpu.memory_space<hbm>>) dst(%arg11 : memref<80x64xf32, #tpu.memory_space<vmem>>)
    %dma_wait3A_47 = arith.constant 0 : i32
    %dma_wait3A_48 = arith.constant 0 : i32
    %dma_wait3A_49 = tpu.memref_slice %arg2[%dma_wait3A_47, %dma_wait3A_48] : memref<10000x64xf32, #tpu.memory_space<hbm>> -> memref<80x64xf32, #tpu.memory_space<hbm>>
    %dma_wait3A_50 = arith.constant 0 : i32
    %dma_wait3A_51 = arith.constant 0 : i32
    %dma_wait3A_52 = tpu.memref_slice %arg2[%dma_wait3A_50, %dma_wait3A_51] : memref<10000x64xf32, #tpu.memory_space<hbm>> -> memref<80x64xf32, #tpu.memory_space<hbm>>
    tpu.wait_dma2 semaphore(%arg16 : memref<!tpu.dma_semaphore, #tpu.memory_space<semaphore_mem>>) src(%dma_wait3A_52 : memref<80x64xf32, #tpu.memory_space<hbm>>) dst(%arg13 : memref<80x64xf32, #tpu.memory_space<vmem>>)
    %parallel_loop3A = arith.constant 0 : i32
    %parallel_loop3A_53 = arith.constant 5 : i32
    %parallel_loop3A_54 = arith.constant 1 : i32
    scf.for %parallel_loop3A_55 = %parallel_loop3A to %parallel_loop3A_53 step %parallel_loop3A_54  : i32 {
      %parallel_loop3A_56 = arith.constant 0 : i32
      %parallel_loop3A_57 = arith.constant 8 : i32
      %parallel_loop3A_58 = arith.constant 1 : i32
      %parallel_loop3A_59 = scf.for %parallel_loop3A_77 = %parallel_loop3A_56 to %parallel_loop3A_57 step %parallel_loop3A_58 iter_args(%parallel_loop3A_78 = %broadcast_in_dim3A_27) -> (vector<16xf32>)  : i32 {
        %parallel_loop3A_79 = arith.constant 16 : i32
        %parallel_loop3A_80 = arith.muli %parallel_loop3A_55, %parallel_loop3A_79 : i32
        %parallel_loop3A_81 = arith.constant 2 : i32
        %parallel_loop3A_82 = arith.muli %parallel_loop3A_77, %parallel_loop3A_81 : i32
        %parallel_loop3A_83 = arith.addi %parallel_loop3A_80, %parallel_loop3A_82 : i32
        %parallel_loop3A_84 = arith.index_cast %parallel_loop3A_83 : i32 to index
        %parallel_loop3A_85 = arith.constant 0 : index
        %parallel_loop3A_86 = tpu.vector_load %arg11[%parallel_loop3A_84, %parallel_loop3A_85] {strides = array<i32>} : memref<80x64xf32, #tpu.memory_space<vmem>>, vector<16xf32>,
        %parallel_loop3A_87 = vector.bitcast %parallel_loop3A_86 : vector<16xf32> to vector<32xbf16>
        %parallel_loop3A_88 = arith.index_cast %parallel_loop3A_83 : i32 to index
        %parallel_loop3A_89 = arith.constant 0 : index
        %parallel_loop3A_90 = tpu.vector_load %arg13[%parallel_loop3A_88, %parallel_loop3A_89] {strides = array<i32>} : memref<80x64xf32, #tpu.memory_space<vmem>>, vector<16xf32>,
        %parallel_loop3A_91 = vector.bitcast %parallel_loop3A_90 : vector<16xf32> to vector<32xbf16>
        %parallel_loop3A_92 = arith.mulf %parallel_loop3A_87, %parallel_loop3A_91 : vector<32xbf16>
        %parallel_loop3A_93 = tpu.unpack_subelements %parallel_loop3A_92, 0 {pack_format = #tpu.pack_format<interleaved>} : vector<32xbf16> -> vector<16xf32>
        %parallel_loop3A_94 = tpu.unpack_subelements %parallel_loop3A_92, 1 {pack_format = #tpu.pack_format<interleaved>} : vector<32xbf16> -> vector<16xf32>
        %parallel_loop3A_95 = arith.index_cast %parallel_loop3A_83 : i32 to index
        %parallel_loop3A_96 = arith.constant 16 : index
        %parallel_loop3A_97 = tpu.vector_load %arg11[%parallel_loop3A_95, %parallel_loop3A_96] {strides = array<i32>} : memref<80x64xf32, #tpu.memory_space<vmem>>, vector<16xf32>,
        %parallel_loop3A_98 = vector.bitcast %parallel_loop3A_97 : vector<16xf32> to vector<32xbf16>
        %parallel_loop3A_99 = arith.index_cast %parallel_loop3A_83 : i32 to index
        %parallel_loop3A_100 = arith.constant 16 : index
        %parallel_loop3A_101 = tpu.vector_load %arg13[%parallel_loop3A_99, %parallel_loop3A_100] {strides = array<i32>} : memref<80x64xf32, #tpu.memory_space<vmem>>, vector<16xf32>,
        %parallel_loop3A_102 = vector.bitcast %parallel_loop3A_101 : vector<16xf32> to vector<32xbf16>
        %parallel_loop3A_103 = arith.mulf %parallel_loop3A_98, %parallel_loop3A_102 : vector<32xbf16>
        %parallel_loop3A_104 = tpu.unpack_subelements %parallel_loop3A_103, 0 {pack_format = #tpu.pack_format<interleaved>} : vector<32xbf16> -> vector<16xf32>
        %parallel_loop3A_105 = tpu.unpack_subelements %parallel_loop3A_103, 1 {pack_format = #tpu.pack_format<interleaved>} : vector<32xbf16> -> vector<16xf32>
        %parallel_loop3A_106 = arith.index_cast %parallel_loop3A_83 : i32 to index
        %parallel_loop3A_107 = arith.constant 32 : index
        %parallel_loop3A_108 = tpu.vector_load %arg11[%parallel_loop3A_106, %parallel_loop3A_107] {strides = array<i32>} : memref<80x64xf32, #tpu.memory_space<vmem>>, vector<16xf32>,
        %parallel_loop3A_109 = vector.bitcast %parallel_loop3A_108 : vector<16xf32> to vector<32xbf16>
        %parallel_loop3A_110 = arith.index_cast %parallel_loop3A_83 : i32 to index
        %parallel_loop3A_111 = arith.constant 32 : index
        %parallel_loop3A_112 = tpu.vector_load %arg13[%parallel_loop3A_110, %parallel_loop3A_111] {strides = array<i32>} : memref<80x64xf32, #tpu.memory_space<vmem>>, vector<16xf32>,
        %parallel_loop3A_113 = vector.bitcast %parallel_loop3A_112 : vector<16xf32> to vector<32xbf16>
        %parallel_loop3A_114 = arith.mulf %parallel_loop3A_109, %parallel_loop3A_113 : vector<32xbf16>
        %parallel_loop3A_115 = tpu.unpack_subelements %parallel_loop3A_114, 0 {pack_format = #tpu.pack_format<interleaved>} : vector<32xbf16> -> vector<16xf32>
        %parallel_loop3A_116 = tpu.unpack_subelements %parallel_loop3A_114, 1 {pack_format = #tpu.pack_format<interleaved>} : vector<32xbf16> -> vector<16xf32>
        %parallel_loop3A_117 = arith.index_cast %parallel_loop3A_83 : i32 to index
        %parallel_loop3A_118 = arith.constant 48 : index
        %parallel_loop3A_119 = tpu.vector_load %arg11[%parallel_loop3A_117, %parallel_loop3A_118] {strides = array<i32>} : memref<80x64xf32, #tpu.memory_space<vmem>>, vector<16xf32>,
        %parallel_loop3A_120 = vector.bitcast %parallel_loop3A_119 : vector<16xf32> to vector<32xbf16>
        %parallel_loop3A_121 = arith.index_cast %parallel_loop3A_83 : i32 to index
        %parallel_loop3A_122 = arith.constant 48 : index
        %parallel_loop3A_123 = tpu.vector_load %arg13[%parallel_loop3A_121, %parallel_loop3A_122] {strides = array<i32>} : memref<80x64xf32, #tpu.memory_space<vmem>>, vector<16xf32>,
        %parallel_loop3A_124 = vector.bitcast %parallel_loop3A_123 : vector<16xf32> to vector<32xbf16>
        %parallel_loop3A_125 = arith.mulf %parallel_loop3A_120, %parallel_loop3A_124 : vector<32xbf16>
        %parallel_loop3A_126 = tpu.unpack_subelements %parallel_loop3A_125, 0 {pack_format = #tpu.pack_format<interleaved>} : vector<32xbf16> -> vector<16xf32>
        %parallel_loop3A_127 = tpu.unpack_subelements %parallel_loop3A_125, 1 {pack_format = #tpu.pack_format<interleaved>} : vector<32xbf16> -> vector<16xf32>
        %parallel_loop3A_128 = arith.addf %parallel_loop3A_93, %parallel_loop3A_94 : vector<16xf32>
        %parallel_loop3A_129 = arith.addf %parallel_loop3A_104, %parallel_loop3A_105 : vector<16xf32>
        %parallel_loop3A_130 = arith.addf %parallel_loop3A_128, %parallel_loop3A_129 : vector<16xf32>
        %parallel_loop3A_131 = arith.addf %parallel_loop3A_115, %parallel_loop3A_116 : vector<16xf32>
        %parallel_loop3A_132 = arith.addf %parallel_loop3A_126, %parallel_loop3A_127 : vector<16xf32>
        %parallel_loop3A_133 = arith.addf %parallel_loop3A_131, %parallel_loop3A_132 : vector<16xf32>
        %parallel_loop3A_134 = arith.addf %parallel_loop3A_130, %parallel_loop3A_133 : vector<16xf32>
        %parallel_loop3A_135 = arith.constant 0 : i32
        %parallel_loop3A_136 = vector.broadcast %parallel_loop3A_135 : i32 to vector<16xi32>
        %parallel_loop3A_137 = arith.cmpi slt, %xor3A_10, %parallel_loop3A_136 : vector<16xi32>
        %parallel_loop3A_138 = arith.constant 16 : i32
        %parallel_loop3A_139 = vector.broadcast %parallel_loop3A_138 : i32 to vector<16xi32>
        %parallel_loop3A_140 = arith.addi %xor3A_10, %parallel_loop3A_139 : vector<16xi32>
        %parallel_loop3A_141 = arith.select %parallel_loop3A_137, %parallel_loop3A_140, %xor3A_10 : vector<16xi1>, vector<16xi32>
        %parallel_loop3A_142 = vector.shape_cast %parallel_loop3A_141 : vector<16xi32> to vector<16x1xi32>
        %parallel_loop3A_143 = vector.shape_cast %parallel_loop3A_142 : vector<16x1xi32> to vector<16xi32>
        %parallel_loop3A_144 = tpu.dynamic_gather %parallel_loop3A_134[%parallel_loop3A_143] in [0] : vector<16xf32>, vector<16xi32> -> vector<16xf32>
        %parallel_loop3A_145 = arith.addf %parallel_loop3A_134, %parallel_loop3A_144 : vector<16xf32>
        %parallel_loop3A_146 = arith.constant 1 : i32
        %parallel_loop3A_147 = arith.addi %parallel_loop3A_83, %parallel_loop3A_146 : i32
        %parallel_loop3A_148 = arith.index_cast %parallel_loop3A_147 : i32 to index
        %parallel_loop3A_149 = arith.constant 0 : index
        %parallel_loop3A_150 = tpu.vector_load %arg11[%parallel_loop3A_148, %parallel_loop3A_149] {strides = array<i32>} : memref<80x64xf32, #tpu.memory_space<vmem>>, vector<16xf32>,
        %parallel_loop3A_151 = vector.bitcast %parallel_loop3A_150 : vector<16xf32> to vector<32xbf16>
        %parallel_loop3A_152 = arith.index_cast %parallel_loop3A_147 : i32 to index
        %parallel_loop3A_153 = arith.constant 0 : index
        %parallel_loop3A_154 = tpu.vector_load %arg13[%parallel_loop3A_152, %parallel_loop3A_153] {strides = array<i32>} : memref<80x64xf32, #tpu.memory_space<vmem>>, vector<16xf32>,
        %parallel_loop3A_155 = vector.bitcast %parallel_loop3A_154 : vector<16xf32> to vector<32xbf16>
        %parallel_loop3A_156 = arith.mulf %parallel_loop3A_151, %parallel_loop3A_155 : vector<32xbf16>
        %parallel_loop3A_157 = tpu.unpack_subelements %parallel_loop3A_156, 0 {pack_format = #tpu.pack_format<interleaved>} : vector<32xbf16> -> vector<16xf32>
        %parallel_loop3A_158 = tpu.unpack_subelements %parallel_loop3A_156, 1 {pack_format = #tpu.pack_format<interleaved>} : vector<32xbf16> -> vector<16xf32>
        %parallel_loop3A_159 = arith.index_cast %parallel_loop3A_147 : i32 to index
        %parallel_loop3A_160 = arith.constant 16 : index
        %parallel_loop3A_161 = tpu.vector_load %arg11[%parallel_loop3A_159, %parallel_loop3A_160] {strides = array<i32>} : memref<80x64xf32, #tpu.memory_space<vmem>>, vector<16xf32>,
        %parallel_loop3A_162 = vector.bitcast %parallel_loop3A_161 : vector<16xf32> to vector<32xbf16>
        %parallel_loop3A_163 = arith.index_cast %parallel_loop3A_147 : i32 to index
        %parallel_loop3A_164 = arith.constant 16 : index
        %parallel_loop3A_165 = tpu.vector_load %arg13[%parallel_loop3A_163, %parallel_loop3A_164] {strides = array<i32>} : memref<80x64xf32, #tpu.memory_space<vmem>>, vector<16xf32>,
        %parallel_loop3A_166 = vector.bitcast %parallel_loop3A_165 : vector<16xf32> to vector<32xbf16>
        %parallel_loop3A_167 = arith.mulf %parallel_loop3A_162, %parallel_loop3A_166 : vector<32xbf16>
        %parallel_loop3A_168 = tpu.unpack_subelements %parallel_loop3A_167, 0 {pack_format = #tpu.pack_format<interleaved>} : vector<32xbf16> -> vector<16xf32>
        %parallel_loop3A_169 = tpu.unpack_subelements %parallel_loop3A_167, 1 {pack_format = #tpu.pack_format<interleaved>} : vector<32xbf16> -> vector<16xf32>
        %parallel_loop3A_170 = arith.index_cast %parallel_loop3A_147 : i32 to index
        %parallel_loop3A_171 = arith.constant 32 : index
        %parallel_loop3A_172 = tpu.vector_load %arg11[%parallel_loop3A_170, %parallel_loop3A_171] {strides = array<i32>} : memref<80x64xf32, #tpu.memory_space<vmem>>, vector<16xf32>,
        %parallel_loop3A_173 = vector.bitcast %parallel_loop3A_172 : vector<16xf32> to vector<32xbf16>
        %parallel_loop3A_174 = arith.index_cast %parallel_loop3A_147 : i32 to index
        %parallel_loop3A_175 = arith.constant 32 : index
        %parallel_loop3A_176 = tpu.vector_load %arg13[%parallel_loop3A_174, %parallel_loop3A_175] {strides = array<i32>} : memref<80x64xf32, #tpu.memory_space<vmem>>, vector<16xf32>,
        %parallel_loop3A_177 = vector.bitcast %parallel_loop3A_176 : vector<16xf32> to vector<32xbf16>
        %parallel_loop3A_178 = arith.mulf %parallel_loop3A_173, %parallel_loop3A_177 : vector<32xbf16>
        %parallel_loop3A_179 = tpu.unpack_subelements %parallel_loop3A_178, 0 {pack_format = #tpu.pack_format<interleaved>} : vector<32xbf16> -> vector<16xf32>
        %parallel_loop3A_180 = tpu.unpack_subelements %parallel_loop3A_178, 1 {pack_format = #tpu.pack_format<interleaved>} : vector<32xbf16> -> vector<16xf32>
        %parallel_loop3A_181 = arith.index_cast %parallel_loop3A_147 : i32 to index
        %parallel_loop3A_182 = arith.constant 48 : index
        %parallel_loop3A_183 = tpu.vector_load %arg11[%parallel_loop3A_181, %parallel_loop3A_182] {strides = array<i32>} : memref<80x64xf32, #tpu.memory_space<vmem>>, vector<16xf32>,
        %parallel_loop3A_184 = vector.bitcast %parallel_loop3A_183 : vector<16xf32> to vector<32xbf16>
        %parallel_loop3A_185 = arith.index_cast %parallel_loop3A_147 : i32 to index
        %parallel_loop3A_186 = arith.constant 48 : index
        %parallel_loop3A_187 = tpu.vector_load %arg13[%parallel_loop3A_185, %parallel_loop3A_186] {strides = array<i32>} : memref<80x64xf32, #tpu.memory_space<vmem>>, vector<16xf32>,
        %parallel_loop3A_188 = vector.bitcast %parallel_loop3A_187 : vector<16xf32> to vector<32xbf16>
        %parallel_loop3A_189 = arith.mulf %parallel_loop3A_184, %parallel_loop3A_188 : vector<32xbf16>
        %parallel_loop3A_190 = tpu.unpack_subelements %parallel_loop3A_189, 0 {pack_format = #tpu.pack_format<interleaved>} : vector<32xbf16> -> vector<16xf32>
        %parallel_loop3A_191 = tpu.unpack_subelements %parallel_loop3A_189, 1 {pack_format = #tpu.pack_format<interleaved>} : vector<32xbf16> -> vector<16xf32>
        %parallel_loop3A_192 = arith.addf %parallel_loop3A_157, %parallel_loop3A_158 : vector<16xf32>
        %parallel_loop3A_193 = arith.addf %parallel_loop3A_168, %parallel_loop3A_169 : vector<16xf32>
        %parallel_loop3A_194 = arith.addf %parallel_loop3A_192, %parallel_loop3A_193 : vector<16xf32>
        %parallel_loop3A_195 = arith.addf %parallel_loop3A_179, %parallel_loop3A_180 : vector<16xf32>
        %parallel_loop3A_196 = arith.addf %parallel_loop3A_190, %parallel_loop3A_191 : vector<16xf32>
        %parallel_loop3A_197 = arith.addf %parallel_loop3A_195, %parallel_loop3A_196 : vector<16xf32>
        %parallel_loop3A_198 = arith.addf %parallel_loop3A_194, %parallel_loop3A_197 : vector<16xf32>
        %parallel_loop3A_199 = arith.constant 0 : i32
        %parallel_loop3A_200 = vector.broadcast %parallel_loop3A_199 : i32 to vector<16xi32>
        %parallel_loop3A_201 = arith.cmpi slt, %xor3A_10, %parallel_loop3A_200 : vector<16xi32>
        %parallel_loop3A_202 = arith.constant 16 : i32
        %parallel_loop3A_203 = vector.broadcast %parallel_loop3A_202 : i32 to vector<16xi32>
        %parallel_loop3A_204 = arith.addi %xor3A_10, %parallel_loop3A_203 : vector<16xi32>
        %parallel_loop3A_205 = arith.select %parallel_loop3A_201, %parallel_loop3A_204, %xor3A_10 : vector<16xi1>, vector<16xi32>
        %parallel_loop3A_206 = vector.shape_cast %parallel_loop3A_205 : vector<16xi32> to vector<16x1xi32>
        %parallel_loop3A_207 = vector.shape_cast %parallel_loop3A_206 : vector<16x1xi32> to vector<16xi32>
        %parallel_loop3A_208 = tpu.dynamic_gather %parallel_loop3A_198[%parallel_loop3A_207] in [0] : vector<16xf32>, vector<16xi32> -> vector<16xf32>
        %parallel_loop3A_209 = arith.addf %parallel_loop3A_198, %parallel_loop3A_208 : vector<16xf32>
        %parallel_loop3A_210 = arith.select %lt3A_26, %parallel_loop3A_145, %parallel_loop3A_209 : vector<16xi1>, vector<16xf32>
        %parallel_loop3A_211 = arith.constant 0 : i32
        %parallel_loop3A_212 = vector.broadcast %parallel_loop3A_211 : i32 to vector<16xi32>
        %parallel_loop3A_213 = arith.cmpi slt, %xor3A_13, %parallel_loop3A_212 : vector<16xi32>
        %parallel_loop3A_214 = arith.constant 16 : i32
        %parallel_loop3A_215 = vector.broadcast %parallel_loop3A_214 : i32 to vector<16xi32>
        %parallel_loop3A_216 = arith.addi %xor3A_13, %parallel_loop3A_215 : vector<16xi32>
        %parallel_loop3A_217 = arith.select %parallel_loop3A_213, %parallel_loop3A_216, %xor3A_13 : vector<16xi1>, vector<16xi32>
        %parallel_loop3A_218 = vector.shape_cast %parallel_loop3A_217 : vector<16xi32> to vector<16x1xi32>
        %parallel_loop3A_219 = vector.shape_cast %parallel_loop3A_218 : vector<16x1xi32> to vector<16xi32>
        %parallel_loop3A_220 = tpu.dynamic_gather %parallel_loop3A_210[%parallel_loop3A_219] in [0] : vector<16xf32>, vector<16xi32> -> vector<16xf32>
        %parallel_loop3A_221 = arith.addf %parallel_loop3A_210, %parallel_loop3A_220 : vector<16xf32>
        %parallel_loop3A_222 = arith.constant 0 : i32
        %parallel_loop3A_223 = vector.broadcast %parallel_loop3A_222 : i32 to vector<16xi32>
        %parallel_loop3A_224 = arith.cmpi slt, %xor3A_16, %parallel_loop3A_223 : vector<16xi32>
        %parallel_loop3A_225 = arith.constant 16 : i32
        %parallel_loop3A_226 = vector.broadcast %parallel_loop3A_225 : i32 to vector<16xi32>
        %parallel_loop3A_227 = arith.addi %xor3A_16, %parallel_loop3A_226 : vector<16xi32>
        %parallel_loop3A_228 = arith.select %parallel_loop3A_224, %parallel_loop3A_227, %xor3A_16 : vector<16xi1>, vector<16xi32>
        %parallel_loop3A_229 = vector.shape_cast %parallel_loop3A_228 : vector<16xi32> to vector<16x1xi32>
        %parallel_loop3A_230 = vector.shape_cast %parallel_loop3A_229 : vector<16x1xi32> to vector<16xi32>
        %parallel_loop3A_231 = tpu.dynamic_gather %parallel_loop3A_221[%parallel_loop3A_230] in [0] : vector<16xf32>, vector<16xi32> -> vector<16xf32>
        %parallel_loop3A_232 = arith.addf %parallel_loop3A_221, %parallel_loop3A_231 : vector<16xf32>
        %parallel_loop3A_233 = arith.constant 0 : i32
        %parallel_loop3A_234 = vector.broadcast %parallel_loop3A_233 : i32 to vector<16xi32>
        %parallel_loop3A_235 = arith.cmpi slt, %xor3A_19, %parallel_loop3A_234 : vector<16xi32>
        %parallel_loop3A_236 = arith.constant 16 : i32
        %parallel_loop3A_237 = vector.broadcast %parallel_loop3A_236 : i32 to vector<16xi32>
        %parallel_loop3A_238 = arith.addi %xor3A_19, %parallel_loop3A_237 : vector<16xi32>
        %parallel_loop3A_239 = arith.select %parallel_loop3A_235, %parallel_loop3A_238, %xor3A_19 : vector<16xi1>, vector<16xi32>
        %parallel_loop3A_240 = vector.shape_cast %parallel_loop3A_239 : vector<16xi32> to vector<16x1xi32>
        %parallel_loop3A_241 = vector.shape_cast %parallel_loop3A_240 : vector<16x1xi32> to vector<16xi32>
        %parallel_loop3A_242 = tpu.dynamic_gather %parallel_loop3A_232[%parallel_loop3A_241] in [0] : vector<16xf32>, vector<16xi32> -> vector<16xf32>
        %parallel_loop3A_243 = arith.addf %parallel_loop3A_232, %parallel_loop3A_242 : vector<16xf32>
        %parallel_loop3A_244 = arith.constant 0 : i32
        %parallel_loop3A_245 = vector.broadcast %parallel_loop3A_244 : i32 to vector<16xi32>
        %parallel_loop3A_246 = arith.cmpi slt, %shift_left3A_23, %parallel_loop3A_245 : vector<16xi32>
        %parallel_loop3A_247 = arith.constant 16 : i32
        %parallel_loop3A_248 = vector.broadcast %parallel_loop3A_247 : i32 to vector<16xi32>
        %parallel_loop3A_249 = arith.addi %shift_left3A_23, %parallel_loop3A_248 : vector<16xi32>
        %parallel_loop3A_250 = arith.select %parallel_loop3A_246, %parallel_loop3A_249, %shift_left3A_23 : vector<16xi1>, vector<16xi32>
        %parallel_loop3A_251 = vector.shape_cast %parallel_loop3A_250 : vector<16xi32> to vector<16x1xi32>
        %parallel_loop3A_252 = vector.shape_cast %parallel_loop3A_251 : vector<16x1xi32> to vector<16xi32>
        %parallel_loop3A_253 = tpu.dynamic_gather %parallel_loop3A_243[%parallel_loop3A_252] in [0] : vector<16xf32>, vector<16xi32> -> vector<16xf32>
        %parallel_loop3A_254 = arith.constant 1 : i32
        %parallel_loop3A_255 = vector.broadcast %parallel_loop3A_254 : i32 to vector<16xi32>
        %parallel_loop3A_256 = arith.shrsi %iota3A, %parallel_loop3A_255 : vector<16xi32>
        %parallel_loop3A_257 = vector.broadcast %parallel_loop3A_77 : i32 to vector<16xi32>
        %parallel_loop3A_258 = arith.cmpi eq, %parallel_loop3A_256, %parallel_loop3A_257 : vector<16xi32>
        %parallel_loop3A_259 = arith.select %parallel_loop3A_258, %parallel_loop3A_253, %parallel_loop3A_78 : vector<16xi1>, vector<16xf32>
        scf.yield %parallel_loop3A_259 : vector<16xf32>
      } {sc.loop_unroll_factor = 2 : i64, sc.parallel_access}
      %parallel_loop3A_60 = arith.constant 16 : i32
      %parallel_loop3A_61 = arith.muli %parallel_loop3A_55, %parallel_loop3A_60 : i32
      %parallel_loop3A_62 = arith.constant 9920 : i32
      %parallel_loop3A_63 = arith.addi %parallel_loop3A_62, %parallel_loop3A_61 : i32
      %parallel_loop3A_64 = arith.index_cast %parallel_loop3A_63 : i32 to index
      %parallel_loop3A_65 = tpu.vector_load %arg8[%parallel_loop3A_64] {strides = array<i32>} : memref<10000xi32, #tpu.memory_space<vmem>>, vector<16xi32>,
      %parallel_loop3A_66 = arith.index_cast %parallel_loop3A_63 : i32 to index
      %parallel_loop3A_67 = tpu.vector_load %arg9[%parallel_loop3A_66] {strides = array<i32>} : memref<10000xi32, #tpu.memory_space<vmem>>, vector<16xi32>,
      %parallel_loop3A_68 = tpu.vector_load_idx %arg7[%parallel_loop3A_65] : memref<10000xf32, #tpu.memory_space<vmem>>[vector<16xi32>], vector<16xf32>,
      %parallel_loop3A_69 = tpu.vector_load_idx %arg7[%parallel_loop3A_67] : memref<10000xf32, #tpu.memory_space<vmem>>[vector<16xi32>], vector<16xf32>,
      %parallel_loop3A_70 = arith.mulf %parallel_loop3A_68, %parallel_loop3A_69 : vector<16xf32>
      %parallel_loop3A_71 = arith.constant 9.99999997E-7 : f32
      %parallel_loop3A_72 = vector.broadcast %parallel_loop3A_71 : f32 to vector<16xf32>
      %parallel_loop3A_73 = arith.maximumf %parallel_loop3A_70, %parallel_loop3A_72 : vector<16xf32>
      %parallel_loop3A_74 = arith.divf %parallel_loop3A_59, %parallel_loop3A_73 : vector<16xf32>
      %parallel_loop3A_75 = arith.index_cast %parallel_loop3A_63 : i32 to index
      %parallel_loop3A_76 = tpu.vector_load %arg10[%parallel_loop3A_75] {strides = array<i32>} : memref<10000xf32, #tpu.memory_space<vmem>>, vector<16xf32>,
      tpu.vector_store %arg10[%parallel_loop3A_75], %parallel_loop3A_74 {strides = array<i32>} : memref<10000xf32, #tpu.memory_space<vmem>>, vector<16xf32>,
    } {sc.loop_unroll_factor = 1 : i64, sc.parallel_access}
    "tpu.region"() ({
      %run_scoped3A = tpu.sem_alloc : memref<!tpu.dma_semaphore, #tpu.memory_space<semaphore_mem>>
      %dma_start3A_55 = tpu.memref_slice %arg6[%mul3A_2] : memref<320000xf32, #tpu.memory_space<hbm>> -> memref<10000xf32, #tpu.memory_space<hbm>>
      %dma_start3A_56 = tpu.memref_slice %arg6[%mul3A_2] : memref<320000xf32, #tpu.memory_space<hbm>> -> memref<10000xf32, #tpu.memory_space<hbm>>
      tpu.enqueue_dma source(%arg10 : memref<10000xf32, #tpu.memory_space<vmem>>) target(%dma_start3A_56 : memref<10000xf32, #tpu.memory_space<hbm>>) target_semaphore(%run_scoped3A : memref<!tpu.dma_semaphore, #tpu.memory_space<semaphore_mem>>)
      %dma_wait3A_57 = tpu.memref_slice %arg6[%mul3A_2] : memref<320000xf32, #tpu.memory_space<hbm>> -> memref<10000xf32, #tpu.memory_space<hbm>>
      %dma_wait3A_58 = tpu.memref_slice %arg6[%mul3A_2] : memref<320000xf32, #tpu.memory_space<hbm>> -> memref<10000xf32, #tpu.memory_space<hbm>>
      tpu.wait_dma2 semaphore(%run_scoped3A : memref<!tpu.dma_semaphore, #tpu.memory_space<semaphore_mem>>) src(%arg10 : memref<10000xf32, #tpu.memory_space<vmem>>) dst(%dma_wait3A_58 : memref<10000xf32, #tpu.memory_space<hbm>>)
      tpu.yield
    }) : () -> ()
    return
  }
}

module attributes {stable_mosaic.version = 14 : i64} {
  func.func @_norms_body(%arg0: memref<10000x128xf32, #tpu.memory_space<vmem>>, %arg1: memref<10000xf32, #tpu.memory_space<vmem>>) attributes {dimension_semantics = [], scalar_prefetch = 0 : i64, scratch_operands = 0 : i64, tpu.core_type = #tpu.core_type<tc>} {
    %get3A = arith.constant 0 : index
    %get3A_0 = arith.constant 0 : index
    %get3A_1 = vector.load %arg0[%get3A, %get3A_0] : memref<10000x128xf32, #tpu.memory_space<vmem>>, vector<10000x128xf32>
    %mul3A = arith.mulf %get3A_1, %get3A_1 : vector<10000x128xf32>
    %reduce_sum3A = arith.constant dense<0.000000e+00> : vector<10000xf32>
    %reduce_sum3A_2 = vector.multi_reduction <add>, %mul3A, %reduce_sum3A [1] : vector<10000x128xf32> to vector<10000xf32>
    %sqrt3A = math.sqrt %reduce_sum3A_2 : vector<10000xf32>
    %swap3A = arith.constant 0 : index
    %swap3A_3 = vector.load %arg1[%swap3A] : memref<10000xf32, #tpu.memory_space<vmem>>, vector<10000xf32>
    tpu.vector_store %arg1[%swap3A], %sqrt3A {strides = array<i32>} : memref<10000xf32, #tpu.memory_space<vmem>>, vector<10000xf32>,
    return
  }
}

</mosaic_0001>

<sc_bundles>
// kernel: kernel.4.cloned.1.call-start
scs
__scs_entry_jumppad:
0x0: {  	(pc) =	sbr.rel $0x88, $3  }
0x1: {  	(tag) =	ssettag $0x0;
	lr =	simm.s32 $0x1  }
0x2: {  	[smem:$0x3F9F] =	sst lr;
	_ =	strace $0xD0000000  }
0x3: {  	_ = 	snop  }
0x4: {  	_ = 	snop  }
0x5: {  	_ = 	snop  }
0x6: {  	_ = 	snop  }
0x7: {  	_ = 	snop  }
__scs_overlays_trampoline_lowered:
0x8: {  	[smem:$0x3FAE] =	sst s0  }
0x9: {  	[smem:$0x3FAF] =	sst s1  }
0xa: {  	[smem:$0x3FB0] =	sst s2  }
0xb: {  	[smem:$0x3FB1] =	sst s3  }
0xc: {  	[smem:$0x3FB2] =	sst s4  }
0xd: {  	[smem:$0x3FB3] =	sst s5  }
0xe: {  	[smem:$0x3FB4] =	sst s6  }
0xf: {  	[smem:$0x3FB5] =	sst s7  }
0x10: {  	[smem:$0x3FB6] =	sst s8  }
0x11: {  	[smem:$0x3FB7] =	sst s9;
	s0 =	simm.s32 @!p0 $0x0  }
0x12: {  	s1 =	sld [smem:$0x3F9D];
	s0 =	simm.s32 @p0 $0x1  }
0x13: {  	[smem:$0x3FB8] =	sst s0;
	s0 =	simm.s32 @!p1 $0x0  }
0x14: {  	s2 =	sld [smem:$0x3F9C];
	s0 =	simm.s32 @p1 $0x1  }
0x15: {  	[smem:$0x3FB9] =	sst s0;
	s0 =	simm.s32 @!p2 $0x0  }
0x16: {  	s3 =	sld [smem:$0x3FDB];
	s0 =	simm.s32 @p2 $0x1  }
0x17: {  	s4 =	simm.s32 $0x1BF5;
	[smem:$0x3FBB] =	sst s0  }
0x18: {  	s0 =	sld [smem:$0x3F9E];
	_ =	swait.ge [sflag:s4], $0x0  }
0x19: {  	s7 =	sld [smem:$0x3F9F]  }
0x1a: {  	s8 =	sadd.s32 $0xFFFFE003, lr  }
0x1b: {  	s9 =	sadd.s32 $0xFFFFFEF7, lr;
	s5 =	simm.s32 $0xFFFFFFFF;
	p2 =	slt.u32 s8, $0xFFFFF086  }
0x1c: {  	p1 =	slt.u32 s9, $0xF7A;
	s5 =	simm.s32 @!p2 $0x0  }
0x1d: {  	s5 =	simm.s32 @p1 $0x1;
	p0 =	seq.s32 s7, s2  }
0x1e: {  	s7 =	smul.u32 @!p0 $0xF7A, s2;
	p2 =	seq.s32 @!p0 s5, $0x0  }
0x1f: {  	s9 =	smul.u32 $0xF7A, s1;
	s8 =	simm.s32 @!p0 $0x1BF5;
	p2 =	por !p2, p0  }
0x20: {  	[sflag:s8] =	ssyncset.s32 @!p0 $0xFFFFF086;
	s6 =	sadd.s32 @!p0 s3, s7;
	s7 =	simm.s32 @!p0 $0x108  }
0x21: {  	s3 =	sadd.s32 s3, s9;
	s6 =	sadd.s32 @!p0 $0x88, s6;
	s7 =	simm.s32 @p2 $0x1082  }
0x22: {  	[simem:s7], [sflag:s8] =	dma.local @!p0 [hbm:s6], $0xF7A  }
0x23: {  	s9 =	sor.u32 $0xD0000000, s2;
	s6 =	simm.s32 $0x108;
	_ =	swait.ge @!p0 [sflag:s8], $0x0  }
0x24: {  	s3 =	sadd.s32 $0x88, s3;
	s6 =	simm.s32 @!p1 $0x1082;
	[sflag:s4] =	ssyncset.s32 $0xFFFFF086  }
0x25: {  	[simem:s6], [sflag:s4] =	dma.local [hbm:s3], $0xF7A  }
0x26: {  	[smem:$0x3F9F] =	sst s1;
	(tag) =	ssettag s2;
	_ =	strace s9  }
0x27: {  	s1 =	sld [smem:$0x3FAF]  }
0x28: {  	s2 =	sld [smem:$0x3FB0]  }
0x29: {  	s4 =	sld [smem:$0x3FB2]  }
0x2a: {  	p0 =	seq.s32 s5, $0x0;
	s5 =	sld [smem:$0x3FB3]  }
0x2b: {  	s6 =	sld [smem:$0x3FB4]  }
0x2c: {  	s7 =	sld [smem:$0x3FB5]  }
0x2d: {  	s3 =	simm.s32 $0x108;
	s8 =	sld [smem:$0x3FB6]  }
0x2e: {  	s3 =	simm.s32 @!p0 $0x1082;
	s9 =	sld [smem:$0x3FB7]  }
0x2f: {  	lr =	sadd.s32 s0, s3;
	s0 =	sld [smem:$0x3FAE]  }
0x30: {  	s3 =	sld [smem:$0x3FB1]  }
0x31: {  	[smem:$0x3FBA] =	sst s10  }
0x32: {  	s10 =	sld [smem:$0x3FB8];
	_ =	sdelay $0x3  }
0x33: {  	p0 =	seq.s32 s10, $0x1;
	s10 =	sld [smem:$0x3FBA];
	_ =	sdelay $0x3  }
0x34: {  	[smem:$0x3FBA] =	sst s10  }
0x35: {  	s10 =	sld [smem:$0x3FB9];
	_ =	sdelay $0x3  }
0x36: {  	p1 =	seq.s32 s10, $0x1;
	s10 =	sld [smem:$0x3FBA];
	_ =	sdelay $0x3  }
0x37: {  	[smem:$0x3FBA] =	sst s10  }
0x38: {  	s10 =	sld [smem:$0x3FBB]  }
0x39: {  	_ = 	snop;
	(pc) =	sbr.ind lr, $3  }
0x3a: {  	_ = 	snop  }
0x3b: {  	_ = 	snop  }
0x3c: {  	p2 =	seq.s32 s10, $0x1;
	s10 =	sld [smem:$0x3FBA]  }
0x3d: {  	_ =	shalt  }
0x3e: {  	_ =	shalt  }
0x3f: {  	_ =	shalt  }
0x40: {  	_ =	shalt  }
0x41: {  	_ =	shalt  }
0x42: {  	_ =	shalt  }
0x43: {  	_ =	shalt  }
0x44: {  	_ =	shalt  }
0x45: {  	_ =	shalt  }
0x46: {  	_ =	shalt  }
0x47: {  	_ =	shalt  }
0x48: {  	_ =	shalt  }
0x49: {  	_ =	shalt  }
0x4a: {  	_ =	shalt  }
0x4b: {  	_ =	shalt  }
0x4c: {  	_ =	shalt  }
0x4d: {  	_ =	shalt  }
0x4e: {  	_ =	shalt  }
0x4f: {  	_ =	shalt  }
0x50: {  	_ =	shalt  }
0x51: {  	_ =	shalt  }
0x52: {  	_ =	shalt  }
0x53: {  	_ =	shalt  }
0x54: {  	_ =	shalt  }
0x55: {  	_ =	shalt  }
0x56: {  	_ =	shalt  }
0x57: {  	_ =	shalt  }
0x58: {  	_ =	shalt  }
0x59: {  	_ =	shalt  }
0x5a: {  	_ =	shalt  }
0x5b: {  	_ =	shalt  }
0x5c: {  	_ =	shalt  }
0x5d: {  	_ =	shalt  }
0x5e: {  	_ =	shalt  }
0x5f: {  	_ =	shalt  }
0x60: {  	_ =	shalt  }
0x61: {  	_ =	shalt  }
0x62: {  	_ =	shalt  }
0x63: {  	_ =	shalt  }
0x64: {  	_ =	shalt  }
0x65: {  	_ =	shalt  }
0x66: {  	_ =	shalt  }
0x67: {  	_ =	shalt  }
0x68: {  	_ =	shalt  }
0x69: {  	_ =	shalt  }
0x6a: {  	_ =	shalt  }
0x6b: {  	_ =	shalt  }
0x6c: {  	_ =	shalt  }
0x6d: {  	_ =	shalt  }
0x6e: {  	_ =	shalt  }
0x6f: {  	_ =	shalt  }
0x70: {  	_ =	shalt  }
0x71: {  	_ =	shalt  }
0x72: {  	_ =	shalt  }
0x73: {  	_ =	shalt  }
0x74: {  	_ =	shalt  }
0x75: {  	_ =	shalt  }
0x76: {  	_ =	shalt  }
0x77: {  	_ =	shalt  }
0x78: {  	_ =	shalt  }
0x79: {  	_ =	shalt  }
0x7a: {  	_ =	shalt  }
0x7b: {  	_ =	shalt  }
0x7c: {  	_ =	shalt  }
0x7d: {  	_ =	shalt  }
0x7e: {  	_ =	shalt  }
0x7f: {  	_ =	shalt  }
0x80: {  	_ =	shalt  }
0x81: {  	_ =	shalt  }
0x82: {  	_ =	shalt  }
0x83: {  	_ =	shalt  }
0x84: {  	_ =	shalt  }
0x85: {  	_ =	shalt  }
0x86: {  	_ =	shalt  }
0x87: {  	_ =	shalt  }
.Lfunc_end0:
.L_simem_size_0:
called_computation_lowered:
.L_overlay_start_0:
0x88: {  	s2 =	sld [smem:$0x3FD9]  }
0x89: {  	s3 =	sld [smem:$0x3FFE];
	_ =	sdelay $0x1  }
0x8a: {  	s1 =	srdreg.scid  }
0x8b: {  	s0 =	sand.u32 $0x1, s1  }
0x8c: {  	s17 =	sshll.u32 s0, $0xA;
	s2 =	sadd.s32 s3, s2  }
0x8d: {  	s2 =	sadd.s32 s2, s17  }
0x8e: {  	[smem:$0x3FC6] =	sst s2  }
0x8f: {  	_ = 	snop  }
0x90: {  	s2 =	sld [smem:$0x3FD0];
	(tm) =	ssettm $0x1  }
0x91: {  	s18 =	sld [smem:$0x3FFB];
	_ =	sdelay $0x3  }
0x92: {  	_ =	strace s18  }
0x93: {  	s3 =	sld [smem:$0x3FFC];
	_ =	sdelay $0x3  }
0x94: {  	_ =	strace s3  }
0x95: {  	s3 =	sld [smem:$0x3FFD];
	_ =	sdelay $0x3  }
0x96: {  	_ =	strace s3  }
0x97: {  	_ =	strace $0x8FFFFFFF  }
0x98: {  	s19 =	sld [smem:$0x3FDB];
	_ =	sdelay $0x1  }
0x99: {  	s4 =	simm.s32 $_scs_section_size  }
0x9a: {  	s5 =	simm.s32 $_size__tile_overlayer_lowered;
	s6 =	simm.s32 $_tile_overlayer_lowered  }
0x9b: {  	s22 =	simm.s32 $0x1BFF;
	s21 =	sshll.u32 s6, $0x1;
	s3 =	sadd.s32 s4, s19  }
0x9c: {  	s7 =	simm.s32 $0x0;
	s20 =	sshll.u32 s5, $0x1;
	s5 =	sadd.s32 s21, s3  }
0x9d: {  	[timem:s7], [sflag:s22] =	dma.local [hbm:s5], s20  }
0x9e: {  	_ =	swait.ge [sflag:s22], s20  }
0x9f: {  	s4 =	ssub.s32 $0x0, s20;
	[sflag:s22] =	ssyncset.done $0x0  }
0xa0: {  	[sflag:s22] =	ssyncadd.s32 s4;
	_ =	sdelay $0x1  }
0xa1: {  	s23 =	simm.s32 $0x1B8B  }
0xa2: {  	_ =	swait.ge [sflag:s23], $0x1  }
0xa3: {  	[sflag:s23] =	ssyncset.done $0x0  }
0xa4: {  	s25 =	simm.s32 $0x1B8E;
	s24 =	sld [smem:$0x3FFE];
	[sflag:s23] =	ssyncadd.s32 $0xFFFFFFFF  }
0xa5: {  	s26 =	simm.s32 $execute0_lowered;
	[smem:$0x3FD2] =	sst s25  }
0xa6: {  	s5 =	sshll.u32 s26, $0x1;
	_ =	strace $0x80000046;
	[dreg:$0x1] =	wrdreg $0xFFFFFFFF  }
0xa7: {  	s28 =	simm.s32 $_size_execute0_lowered;
	s3 =	sadd.s32 s3, s5;
	[dreg:$0x0] =	wrdreg $0x0  }
0xa8: {  	s5 =	sshll.u32 s28, $0x1;
	[dreg:$0x2] =	wrdreg s3  }
0xa9: {  	[dreg:$0x3] =	wrdreg s5  }
0xaa: {  	[dreg:$0x4] =	wrdreg $0xC0  }
0xab: {  	_ =	task [dreg:s7], $0x5FFFF  }
0xac: {  	[dreg:$0x1] =	wrdreg $0xFFFFFFFF  }
0xad: {  	[dreg:$0x0] =	wrdreg $0x60  }
0xae: {  	[dreg:$0x2] =	wrdreg s24  }
0xaf: {  	[dreg:$0x3] =	wrdreg s2  }
0xb0: {  	[dreg:$0x4] =	wrdreg $0xEC400  }
0xb1: {  	[dreg:$0x5] =	wrdreg $0x9  }
0xb2: {  	_ =	task.clear_ibuf [dreg:s7], $0x6FFFF;
	_ =	strace $0x90000046  }
0xb3: {  	s29 =	simm.s32 $0x9;
	_ =	strace $0x80000048  }
0xb4: {  	_ =	swait.ge [sflag:s29], $0x1  }
0xb5: {  	[sflag:s29] =	ssyncadd.s32 $0xFFFFFFFF  }
0xb6: {  	_ =	strace $0x90000048  }
0xb7: {  	_ =	sfence  }
0xb8: {  	s30 =	sld [smem:$0x0];
	_ =	sdelay $0x2  }
0xb9: {  	s31 =	sshll.u32 s1, $0xD;
	s1 =	sshrl.u32 s1, $0x2  }
0xba: {  	s3 =	sand.u32 $0x4000, s31;
	s1 =	sadd.s32 s1, s30  }
0xbb: {  	s0 =	sor.u32 s3, s0;
	s1 =	sshll.u32 s1, $0x11  }
0xbc: {  	s0 =	sor.u32 s1, s0  }
0xbd: {  	s0 =	sadd.s32 $0x8F2B, s0  }
0xbe: {  	[sflag:s0] =	ssyncadd.remote.s32 $0x1  }
0xbf: {  	_ =	sfence.sel $0xFFFF  }
0xc0: {  	[dreg:$0x0] =	wrdreg $0xFFFFFFFF;
	(pc) =	sbr.abs _section_cstart, $3  }
0xc1: {  	[dreg:$0x1] =	wrdreg $0xFFFFFFFF  }
0xc2: {  	_ =	task.clear_ibuf [dreg:s7], $0x2FFFF;
	_ =	strace $0x9FFFFFFF  }
0xc3: {  	(tm) =	ssettm $0x7FFFFFFF  }
tec
execute0_lowered:
.L_overlay_start_1:
0x0: {  	(tag) =	ssettag $0x1  }
0x1: {  	s0 =	rddreg [dreg:$0x0]  }
0x2: {  	s1 =	rddreg [dreg:$0x1]  }
0x3: {  	s2 =	rddreg [dreg:$0x2]  }
0x4: {  	v0 =	vimm.s32 $0xFEDCBA98;
	s12 =	stileid.u32;
	s3 =	srdreg.scid;
	v1 =	vimm.s32 $0x76543210;
	s15 =	simm.s32 $0x3  }
0x5: {  	v2 =	vimm.s32 $0xBA98FEDC;
	s17 =	simm.s32 $0x50;
	s18 =	simm.s32 $0x9C40;
	s19 =	simm.s32 $0xC440  }
0x6: {  	v3 =	vimm.s32 $0x32107654;
	v4 =	vimm.s32 $0xDCFE98BA;
	s20 =	simm.s32 $0xB040;
	s21 =	simm.s32 $0xD840;
	s22 =	simm.s32 $0x1  }
0x7: {  	v5 =	vimm.s32 $0x54761032;
	v6 =	vimm.s32 $0xEFCDAB89;
	v7 =	vimm.s32 $0x67452301;
	s23 =	simm.s32 $0x2;
	s25 =	simm.s32 $0x0;
	s4 =	sand.u32 $0x1, s3  }
0x8: {  	v0 =	vunpack.c.l.s4.s8 v0;
	s5 =	sshll.u32 s12, $0x1;
	s3 =	simm.s32 $0x0;
	s6 =	smul.u32 $0xA000, s12;
	v1 =	vunpack.c.l.s4.s8 v1;
	v2 =	vunpack.c.l.s4.s8 v2  }
0x9: {  	s10 =	sadd.s32 $0x200, s0;
	v3 =	vunpack.c.l.s4.s8 v3;
	v4 =	vunpack.c.l.s4.s8 v4;
	s11 =	sadd.s32 $0x96000, s2;
	v5 =	vunpack.c.l.s4.s8 v5;
	p0 =	seq.s32 s12, $0xF  }
0xa: {  	v6 =	vunpack.c.l.s4.s8 v6;
	v7 =	vunpack.c.l.s4.s8 v7;
	s5 =	sor.u32 s4, s5;
	[smem:$0x7FF] =	sst s3;
	s4 =	ssub.s32 $0x2, s4;
	v0 =	vunpack.c.0.s8.s32 v0  }
0xb: {  	s11 =	sshrl.u32 @p0 s11, $0x3;
	s5 =	smul.u32 $0x4E2, s5;
	_ =	strace $0x80000047;
	v1 =	vunpack.c.0.s8.s32 v1;
	v2 =	vunpack.c.0.s8.s32 v2;
	v3 =	vunpack.c.0.s8.s32 v3  }
0xc: {  	s7 =	sshrl.u32 s6, $0x3;
	s9 =	sshrl.u32 s4, $0x1;
	[dreg:$0x4] =	wrdreg s10;
	v4 =	vunpack.c.0.s8.s32 v4;
	v5 =	vunpack.c.0.s8.s32 v5;
	v0 =	vand.u32 $0xF, v0  }
0xd: {  	s6 =	sadd.s32 s6, s2;
	s7 =	sadd.s32 s7, s0;
	s4 =	ssub.s32 s4, s9;
	v0 =	vcombine.low v0, v1;
	v1 =	vunpack.c.0.s8.s32 v6;
	v6 =	vunpack.c.0.s8.s32 v7  }
0xe: {  	s13 =	sshrl.u32 @!p0 s6, $0x3;
	s8 =	sadd.s32 s5, s0;
	s7 =	sadd.s32 $0x800, s7;
	v2 =	vcombine.low v3, v2;
	v3 =	vcombine.low v5, v4  }
0xf: {  	vm0 =	vmmov $0xff;
	s0 =	sadd.s32 $0x13400, s0;
	s9 =	sadd.s32 s1, s5;
	v5 =	vlaneseq.u32;
	[dreg:$0x5] =	wrdreg s7;
	v4 =	vcombine.low v6, v1  }
0x10: {  	s10 =	smax.u32 s4, $0x1;
	[dreg:$0x6] =	wrdreg s0;
	s0 =	sshll.u32 @!p0 s12, $0x6;
	v1 =	vand.u32 $0xF, v2;
	v2 =	vand.u32 $0xF, v3;
	v6 =	vand.u32 $0x1, v5  }
0x11: {  	s7 =	sadd.s32 $0x1E000, s8;
	s8 =	sadd.s32 $0x14200, s8;
	s12 =	sor.u32 @!p0 $0x1C03, s0;
	v5 =	vshrl.u32 v5, $0x1;
	v3 =	vand.u32 $0xF, v4;
	v4 =	vmul.u32 $0x8, v6  }
.LBB2_1:
0x12: {  	s0 =	simm.s32 @p0 $0x1FC3;
	s1 =	rddreg [dreg:$0x6]  }
0x13: {  	[spmem:s11], [sflag:s0] =	dma.local @p0 [hbm:s1], $0xC80  }
0x14: {  	s0 =	simm.s32 @p0 $0x3  }
0x15: {  	_ =	swait.ge @p0 [sflag:s0], $0xC80  }
0x16: {  	[sflag:s0] =	ssyncset.done @p0 $0x0  }
0x17: {  	[sflag:s0] =	ssyncadd.s32 @p0 $0xFFFFF380;
	s0 =	rddreg [dreg:$0x5]  }
0x18: {  	[spmem:s13], [sflag:s12] =	dma.local @!p0 [hbm:s0], $0x1400  }
0x19: {  	s0 =	simm.s32 @!p0 $0x3  }
0x1a: {  	_ =	swait.ge @!p0 [sflag:s0], $0x1400  }
0x1b: {  	[sflag:s0] =	ssyncset.done @!p0 $0x0  }
0x1c: {  	s30 =	simm.s32 $0x2710;
	[sflag:s0] =	ssyncadd.s32 @!p0 $0xFFFFEC00  }
0x1d: {  	[tilespmem:s30], [sflag:$0x3] =	stream.linear.gather [hbm4b:s7+s3], $0x2710, $0x38;
	[tilespmem:$0x18880] =	vst v63  }
0x1e: {  	_ =	swait.ge [sflag:s15], $0x2710  }
0x1f: {  	[sflag:s15] =	ssyncset.done $0x0  }
0x20: {  	s4 =	simm.s32 $0x4E20;
	[sflag:s15] =	ssyncadd.s32 $0xFFFFD8F0  }
0x21: {  	[tilespmem:s4], [sflag:$0x3] =	stream.linear.gather [hbm4b:s8+s3], $0x2710, $0x38;
	[tilespmem:$0x18880] =	vst v63  }
0x22: {  	_ =	swait.ge [sflag:s15], $0x2710  }
0x23: {  	[sflag:s15] =	ssyncset.done $0x0  }
0x24: {  	s31 =	rddreg [dreg:$0x4];
	[sflag:s15] =	ssyncadd.s32 $0xFFFFD8F0  }
0x25: {  	[tilespmem:s3], [sflag:$0x3] =	stream.linear.gather [hbm4b:s31+s3], $0x2710, $0x38;
	[tilespmem:$0x18880] =	vst v63  }
0x26: {  	_ =	swait.ge [sflag:s15], $0x2710  }
0x27: {  	[sflag:s15] =	ssyncset.done $0x0  }
0x28: {  	[sflag:s15] =	ssyncadd.s32 $0xFFFFD8F0  }
0x29: {  	[bflag:$0x0] =	sbarrier.arrive $0xFFFF  }
0x2a: {  	[tilespmem:s18], [sflag:$0x1] =	stream.indirect.gather [spmem:s2], $0x40, s30, s17, $0xb8;
	[tilespmem:$0x18880] =	vst v63  }
0x2b: {  	s26 =	simm.s32 $0x0  }
0x2c: {  	[tilespmem:s19], [sflag:$0x1] =	stream.indirect.gather [spmem:s2], $0x40, s4, s17, $0xb8;
	[tilespmem:$0x18880] =	vst v63  }
.LBB2_2:
0x2d: {  	s29 =	smul.u32 $0xA0, s26;
	_ =	sdelay $0x1  }
0x2e: {  	s0 =	sadd.s32 $0x2760, s29  }
0x2f: {  	[tilespmem:s20], [sflag:$0x2] =	stream.indirect.gather [spmem:s2], $0x40, s0, s17, $0xb8;
	[tilespmem:$0x18880] =	vst v63  }
0x30: {  	s24 =	sadd.s32 $0x4E70, s29  }
0x31: {  	[tilespmem:s21], [sflag:$0x2] =	stream.indirect.gather [spmem:s2], $0x40, s24, s17, $0xb8;
	[tilespmem:$0x18880] =	vst v63  }
0x32: {  	_ =	swait.ge [sflag:s22], $0x1400  }
0x33: {  	[sflag:s22] =	ssyncset.done $0x0  }
0x34: {  	[sflag:s22] =	ssyncadd.s32 $0xFFFFEC00  }
0x35: {  	s30 =	simm.s32 $0x0;
	_ =	swait.ge [sflag:s22], $0x1400  }
0x36: {  	s31 =	simm.s32 $0x9CC0;
	s1 =	simm.s32 $0xC4C0;
	[sflag:s22] =	ssyncset.done $0x0  }
0x37: {  	s28 =	sadd.s32 $0x50, s29;
	v6 =	vmov s29;
	s0 =	simm.s32 $0x0;
	[sflag:s22] =	ssyncadd.s32 $0xFFFFEC00  }
.LBB2_3:
0x38: {  	v7 =	vld [tilespmem:s1+$0x0]  }
0x39: {  	v8 =	vld [tilespmem:s1+$0x10]  }
0x3a: {  	v9 =	vld [tilespmem:s1+$0x50]  }
0x3b: {  	v10 =	vld [tilespmem:s1+$0x70]  }
0x3c: {  	v11 =	vld [tilespmem:s1+$0x30]  }
0x3d: {  	v12 =	vld [tilespmem:s1+$0xFFFFFFC0]  }
0x3e: {  	v13 =	vld [tilespmem:s1+$0xFFFFFFF0]  }
0x3f: {  	v14 =	vld [tilespmem:s1+$0xFFFFFFB0]  }
0x40: {  	v15 =	vld [tilespmem:s1+$0x40]  }
0x41: {  	v16 =	vld [tilespmem:s31+$0x10]  }
0x42: {  	v17 =	vld [tilespmem:s31+$0x0]  }
0x43: {  	v18 =	vld [tilespmem:s31+$0x40]  }
0x44: {  	v19 =	vld [tilespmem:s31+$0xFFFFFFC0]  }
0x45: {  	v20 =	vld [tilespmem:s1+$0x60]  }
0x46: {  	v21 =	vld [tilespmem:s31+$0x30]  }
0x47: {  	v22 =	vld [tilespmem:s31+$0x50]  }
0x48: {  	v23 =	vld [tilespmem:s31+$0xFFFFFFF0]  }
0x49: {  	v24 =	vld [tilespmem:s31+$0x70]  }
0x4a: {  	v26 =	vld [tilespmem:s31+$0x60]  }
0x4b: {  	v29 =	vld [tilespmem:s31+$0xFFFFFF80];
	v8 =	vmul.bf16 v8, v16  }
0x4c: {  	v31 =	vld [tilespmem:s1+$0xFFFFFFD0];
	s5 =	sadd.s32 $0x100, s31;
	v7 =	vmul.bf16 v7, v17;
	v9 =	vmul.bf16 v9, v22  }
0x4d: {  	v60 =	vld [tilespmem:s5+$0x70];
	v12 =	vmul.bf16 v12, v19;
	v13 =	vmul.bf16 v13, v23  }
0x4e: {  	v16 =	vld [tilespmem:s31+$0xFFFFFFB0];
	v10 =	vmul.bf16 v10, v24;
	v15 =	vmul.bf16 v15, v18  }
0x4f: {  	v17 =	vld [tilespmem:s31+$0xFFFFFFA0];
	v20 =	vmul.bf16 v20, v26;
	v25 =	vunpack.i.u.bf16.f32 v8;
	v27 =	vunpack.i.u.bf16.f32 v7  }
0x50: {  	v22 =	vld [tilespmem:s1+$0xFFFFFFA0];
	v7 =	vunpack.i.l.bf16.f32 v7;
	v23 =	vunpack.i.u.bf16.f32 v9;
	v9 =	vunpack.i.l.bf16.f32 v9  }
0x51: {  	v19 =	vld [tilespmem:s1+$0x20];
	v8 =	vunpack.i.l.bf16.f32 v8;
	v18 =	vunpack.i.u.bf16.f32 v12;
	v30 =	vunpack.i.l.bf16.f32 v20  }
0x52: {  	v26 =	vld [tilespmem:s31+$0xFFFFFF90];
	v20 =	vunpack.i.u.bf16.f32 v20;
	v12 =	vunpack.i.l.bf16.f32 v12;
	v7 =	vadd.f32 v7, v27  }
0x53: {  	v8 =	vadd.f32 v8, v25;
	v9 =	vadd.f32 v9, v23;
	v14 =	vmul.bf16 v14, v16;
	v16 =	vld [tilespmem:s31+$0x20]  }
0x54: {  	v23 =	vunpack.i.u.bf16.f32 v10;
	v10 =	vunpack.i.l.bf16.f32 v10;
	v25 =	vld [tilespmem:s1+$0xFFFFFF90];
	v20 =	vadd.f32 v30, v20  }
0x55: {  	v34 =	vld [tilespmem:s5+$0xFFFFFFA0];
	v12 =	vadd.f32 v12, v18;
	v10 =	vadd.f32 v10, v23;
	v17 =	vmul.bf16 v22, v17  }
0x56: {  	v27 =	vld [tilespmem:s1+$0xFFFFFF80];
	v22 =	vunpack.i.l.bf16.f32 v15;
	v15 =	vunpack.i.u.bf16.f32 v15;
	v7 =	vadd.f32 v8, v7  }
0x57: {  	v11 =	vmul.bf16 v11, v21;
	v21 =	vld [tilespmem:s1+$0xFFFFFFE0];
	v15 =	vadd.f32 v22, v15;
	v10 =	vadd.f32 v10, v20  }
0x58: {  	v24 =	vld [tilespmem:s31+$0xFFFFFFE0];
	v28 =	vunpack.i.u.bf16.f32 v14;
	v14 =	vunpack.i.l.bf16.f32 v14;
	v16 =	vmul.bf16 v19, v16  }
0x59: {  	v18 =	vld [tilespmem:s5+$0xFFFFFFC0];
	v8 =	vmul.bf16 v25, v26;
	v19 =	vunpack.i.u.bf16.f32 v11;
	v11 =	vunpack.i.l.bf16.f32 v11  }
0x5a: {  	s14 =	sadd.s32 $0x100, s1;
	v11 =	vadd.f32 v11, v19;
	v19 =	vld [tilespmem:s31+$0xFFFFFFD0];
	v32 =	vunpack.i.u.bf16.f32 v16;
	v16 =	vunpack.i.l.bf16.f32 v16  }
0x5b: {  	v23 =	vld [tilespmem:s14+$0x0];
	v22 =	vmul.bf16 v27, v29;
	v9 =	vadd.f32 v9, v15;
	v16 =	vadd.f32 v16, v32  }
0x5c: {  	v20 =	vld [tilespmem:s14+$0x50];
	v15 =	vunpack.i.u.bf16.f32 v17;
	v17 =	vunpack.i.l.bf16.f32 v17;
	v14 =	vadd.f32 v14, v28  }
0x5d: {  	v26 =	vld [tilespmem:s14+$0x30];
	v15 =	vadd.f32 v17, v15;
	v25 =	vunpack.i.u.bf16.f32 v8;
	v11 =	vadd.f32 v11, v16  }
0x5e: {  	v29 =	vld [tilespmem:s14+$0xFFFFFFF0];
	v8 =	vunpack.i.l.bf16.f32 v8;
	v9 =	vadd.f32 v10, v9;
	v30 =	vunpack.i.u.bf16.f32 v22  }
0x5f: {  	v28 =	vld [tilespmem:s14+$0x40];
	v22 =	vunpack.i.l.bf16.f32 v22;
	v19 =	vmul.bf16 v31, v19;
	v7 =	vadd.f32 v11, v7  }
0x60: {  	v21 =	vmul.bf16 v21, v24;
	v17 =	vld [tilespmem:s14+$0xFFFFFFB0];
	v8 =	vadd.f32 v8, v25;
	v22 =	vadd.f32 v22, v30  }
0x61: {  	v16 =	vld [tilespmem:s14+$0x10];
	v27 =	vunpack.i.l.bf16.f32 v19;
	v19 =	vunpack.i.u.bf16.f32 v19;
	v10 =	vperm.xlane v7, v0  }
0x62: {  	v24 =	vunpack.i.u.bf16.f32 v21;
	v14 =	vadd.f32 v14, v15;
	v19 =	vadd.f32 v27, v19;
	v27 =	vld [tilespmem:s5+$0x0]  }
0x63: {  	v15 =	vunpack.i.l.bf16.f32 v21;
	v21 =	vunpack.i.l.bf16.f32 v13;
	v7 =	vadd.f32 v7, v10;
	v10 =	vld [tilespmem:s5+$0x10]  }
0x64: {  	s4 =	simm.s32 $0x1;
	v25 =	vld [tilespmem:s14+$0xFFFFFFC0];
	v13 =	vunpack.i.u.bf16.f32 v13;
	v30 =	vperm.xlane v9, v0;
	v8 =	vadd.f32 v8, v22  }
0x65: {  	v15 =	vadd.f32 v15, v24;
	v24 =	vld [tilespmem:s14+$0x60];
	v13 =	vadd.f32 v21, v13;
	v21 =	vmov s4  }
0x66: {  	v22 =	vld [tilespmem:s5+$0x40];
	vm1 =	veq.s32 v21, v5;
	v9 =	vadd.f32 v9, v30;
	v14 =	vadd.f32 v14, v8  }
0x67: {  	v21 =	vld [tilespmem:s14+$0xFFFFFFA0];
	v13 =	vadd.f32 v13, v15;
	v12 =	vadd.f32 v19, v12;
	v15 =	vmul.bf16 v23, v27  }
0x68: {  	v19 =	vld [tilespmem:s5+$0x50];
	v9 =	vsel vm0, v7, v9;
	v30 =	vmul.bf16 v16, v10;
	v10 =	vperm.xlane v14, v0  }
0x69: {  	v31 =	vld [tilespmem:s5+$0x30];
	v12 =	vadd.f32 v13, v12;
	v16 =	vperm.xlane v9, v1  }
0x6a: {  	v13 =	vunpack.i.l.bf16.f32 v15;
	v14 =	vadd.f32 v14, v10;
	v10 =	vunpack.i.u.bf16.f32 v15;
	v15 =	vld [tilespmem:s5+$0xFFFFFFB0]  }
0x6b: {  	v11 =	vld [tilespmem:s14+$0x70]  }
0x6c: {  	v8 =	vimm.f32 $0.0e+00;
	v36 =	vmul.bf16 v28, v22;
	v23 =	vld [tilespmem:s5+$0xFFFFFFF0];
	v33 =	vadd.f32 v9, v16  }
0x6d: {  	v16 =	vadd.f32 v13, v10;
	v10 =	vmul.bf16 v25, v18;
	v18 =	vmul.bf16 v20, v19;
	v20 =	vld [tilespmem:s5+$0x60]  }
0x6e: {  	v31 =	vmul.bf16 v26, v31;
	v26 =	vunpack.i.l.bf16.f32 v36;
	v27 =	vunpack.i.u.bf16.f32 v30;
	v25 =	vld [tilespmem:s14+$0x20]  }
0x6f: {  	s24 =	simm.s32 $0x3;
	v13 =	vperm.xlane v12, v0;
	v15 =	vmul.bf16 v17, v15;
	v17 =	vunpack.i.l.bf16.f32 v30;
	v30 =	vld [tilespmem:s5+$0x20]  }
0x70: {  	v32 =	vmul.bf16 v11, v60;
	v7 =	vmov s24;
	v61 =	vunpack.i.u.bf16.f32 v31  }
0x71: {  	v31 =	vunpack.i.l.bf16.f32 v31;
	v19 =	vperm.xlane v33, v2;
	v12 =	vadd.f32 v12, v13  }
0x72: {  	v35 =	vld [tilespmem:s14+$0xFFFFFFE0];
	v31 =	vadd.f32 v31, v61;
	v9 =	vmul.bf16 v29, v23;
	v13 =	vmov s30  }
0x73: {  	v22 =	vld [tilespmem:s5+$0xFFFFFFE0];
	v11 =	vadd.f32 v33, v19;
	v19 =	vmul.bf16 v21, v34;
	v14 =	vsel vm0, v14, v12  }
0x74: {  	v23 =	vadd.f32 v17, v27;
	v27 =	vld [tilespmem:s14+$0xFFFFFF80];
	v21 =	vmul.bf16 v24, v20;
	v25 =	vmul.bf16 v25, v30  }
0x75: {  	v29 =	vunpack.i.u.bf16.f32 v18;
	v18 =	vunpack.i.l.bf16.f32 v18;
	v24 =	vld [tilespmem:s5+$0xFFFFFF80];
	v30 =	vperm.xlane v14, v1  }
0x76: {  	v28 =	vld [tilespmem:s14+$0xFFFFFF90];
	v62 =	vunpack.i.l.bf16.f32 v21;
	v21 =	vunpack.i.u.bf16.f32 v21;
	v63 =	vunpack.i.u.bf16.f32 v25  }
0x77: {  	v37 =	vunpack.i.l.bf16.f32 v25;
	v25 =	vadd.f32 v62, v21;
	v21 =	vadd.f32 v14, v30;
	v30 =	vld [tilespmem:s5+$0xFFFFFF90]  }
0x78: {  	vm2 =	veq.s32 v13, v5;
	v13 =	vunpack.i.u.bf16.f32 v10;
	v18 =	vadd.f32 v18, v29  }
0x79: {  	v29 =	vunpack.i.u.bf16.f32 v32;
	v32 =	vunpack.i.l.bf16.f32 v32;
	v33 =	vunpack.i.u.bf16.f32 v36  }
0x7a: {  	s4 =	simm.s32 $0x4;
	v12 =	vld [tilespmem:s14+$0xFFFFFFD0];
	v17 =	vmul.bf16 v35, v22;
	v20 =	vunpack.i.u.bf16.f32 v15;
	v22 =	vmul.bf16 v27, v24  }
0x7b: {  	s24 =	simm.s32 $0x2;
	s14 =	sadd.s32 $0x100, s14;
	v27 =	vadd.f32 v32, v29;
	v29 =	vld [tilespmem:s5+$0xFFFFFFD0];
	s5 =	sadd.s32 $0x100, s5;
	v32 =	vadd.f32 v37, v63;
	v24 =	vperm.xlane v21, v2  }
.LBB2_4:
0x7c: {  	v14 =	vld [tilespmem:s14+$0xFFFFFF80];
	p1 =	slt.u32 s4, $0x6;
	v28 =	vmul.bf16 v28, v30;
	v16 =	vadd.f32 v23, v16;
	v23 =	vadd.f32 v26, v33;
	s6 =	smov.u32 s4;
	s4 =	sadd.s32 $0x2, s4  }
0x7d: {  	v30 =	vunpack.i.u.bf16.f32 v17;
	v25 =	vadd.f32 v27, v25;
	v26 =	vld [tilespmem:s14+$0x0];
	v31 =	vadd.f32 v31, v32  }
0x7e: {  	v21 =	vadd.f32 v21, v24;
	v27 =	vld [tilespmem:s14+$0x10];
	v32 =	vunpack.i.u.bf16.f32 v28;
	v18 =	vadd.f32 v18, v23  }
0x7f: {  	v24 =	vunpack.i.l.bf16.f32 v28;
	v28 =	vunpack.i.u.bf16.f32 v19;
	v23 =	vld [tilespmem:s14+$0x50];
	v16 =	vadd.f32 v31, v16  }
0x80: {  	v31 =	vld [tilespmem:s14+$0x70];
	v29 =	vmul.bf16 v12, v29;
	v18 =	vadd.f32 v25, v18;
	v12 =	vperm.xlane v21, v3  }
0x81: {  	v33 =	vperm.xlane v11, v3;
	v24 =	vadd.f32 v24, v32;
	v25 =	vld [tilespmem:s14+$0x30];
	v32 =	vperm.xlane v16, v0  }
0x82: {  	v34 =	vld [tilespmem:s14+$0xFFFFFFC0];
	v35 =	vunpack.i.l.bf16.f32 v29;
	v36 =	vperm.xlane v18, v0;
	v21 =	vadd.f32 v21, v12  }
0x83: {  	v15 =	vunpack.i.l.bf16.f32 v15;
	v19 =	vunpack.i.l.bf16.f32 v19;
	v37 =	vld [tilespmem:s14+$0xFFFFFFF0];
	v16 =	vadd.f32 v16, v32  }
0x84: {  	v15 =	vadd.f32 v15, v20;
	v19 =	vadd.f32 v19, v28;
	v12 =	vld [tilespmem:s14+$0xFFFFFFD0];
	v20 =	vperm.xlane v21, v4  }
0x85: {  	v28 =	vunpack.i.u.bf16.f32 v22;
	v22 =	vunpack.i.l.bf16.f32 v22;
	v29 =	vunpack.i.u.bf16.f32 v29;
	v21 =	vld [tilespmem:s14+$0xFFFFFFB0]  }
0x86: {  	v11 =	vadd.f32 v11, v33;
	v22 =	vadd.f32 v22, v28;
	v32 =	vld [tilespmem:s14+$0x40];
	v8 =	vsel vm2, v20, v8  }
0x87: {  	v10 =	vunpack.i.l.bf16.f32 v10;
	v28 =	vadd.f32 v35, v29;
	v18 =	vadd.f32 v18, v36;
	v20 =	vld [tilespmem:s5+$0x10]  }
0x88: {  	v11 =	vperm.xlane v11, v4;
	v15 =	vadd.f32 v15, v19;
	v22 =	vadd.f32 v24, v22;
	v29 =	vld [tilespmem:s5+$0x0]  }
0x89: {  	v17 =	vunpack.i.l.bf16.f32 v17;
	v10 =	vadd.f32 v10, v13;
	v24 =	vunpack.i.l.bf16.f32 v9;
	v19 =	vld [tilespmem:s5+$0x40]  }
0x8a: {  	v17 =	vadd.f32 v17, v30;
	v9 =	vunpack.i.u.bf16.f32 v9;
	v15 =	vadd.f32 v15, v22;
	v13 =	vld [tilespmem:s5+$0xFFFFFFC0]  }
0x8b: {  	v9 =	vadd.f32 v24, v9;
	v18 =	vsel vm0, v16, v18;
	v8 =	vsel vm1, v11, v8;
	v22 =	vld [tilespmem:s14+$0x60]  }
0x8c: {  	v10 =	vadd.f32 v28, v10;
	v16 =	vperm.xlane v15, v0;
	v11 =	vmul.bf16 v27, v20;
	v20 =	vld [tilespmem:s5+$0x30]  }
0x8d: {  	s16 =	sadd.s32 $0x1, s6;
	v9 =	vadd.f32 v9, v17;
	v17 =	vperm.xlane v18, v1;
	v24 =	vmul.bf16 v26, v29;
	v26 =	vld [tilespmem:s5+$0x50]  }
0x8e: {  	v30 =	vadd.f32 v15, v16;
	v29 =	vmov s16;
	v27 =	vld [tilespmem:s5+$0xFFFFFFF0];
	v28 =	vunpack.i.u.bf16.f32 v11  }
0x8f: {  	v33 =	vadd.f32 v9, v10;
	v15 =	vunpack.i.u.bf16.f32 v24;
	v16 =	vunpack.i.l.bf16.f32 v24;
	v24 =	vld [tilespmem:s5+$0x70]  }
0x90: {  	v17 =	vadd.f32 v18, v17;
	v35 =	vld [tilespmem:s5+$0xFFFFFFB0];
	v16 =	vadd.f32 v16, v15  }
0x91: {  	v10 =	vmul.bf16 v34, v13;
	v13 =	vperm.xlane v33, v0;
	v36 =	vld [tilespmem:s5+$0xFFFFFFA0]  }
0x92: {  	vm1 =	veq.s32 v7, v5;
	v18 =	vperm.xlane v17, v2;
	v7 =	vmovc v29;
	v15 =	vmul.bf16 v23, v26;
	v26 =	vld [tilespmem:s5+$0x60]  }
0x93: {  	v29 =	vld [tilespmem:s14+$0xFFFFFFA0];
	v9 =	vmul.bf16 v37, v27;
	v27 =	vadd.f32 v33, v13;
	v13 =	vmov s24;
	s24 =	smov.u32 s6  }
0x94: {  	v33 =	vld [tilespmem:s14+$0x20];
	v34 =	vunpack.i.u.bf16.f32 v15;
	v37 =	vunpack.i.l.bf16.f32 v15;
	vm2 =	veq.s32 v13, v5  }
0x95: {  	v24 =	vmul.bf16 v31, v24;
	v15 =	vmul.bf16 v21, v35;
	v21 =	vunpack.i.l.bf16.f32 v11;
	v35 =	vld [tilespmem:s5+$0x20]  }
0x96: {  	v38 =	vmul.bf16 v32, v19;
	v25 =	vmul.bf16 v25, v20;
	v11 =	vadd.f32 v17, v18;
	v31 =	vld [tilespmem:s14+$0xFFFFFFE0]  }
0x97: {  	v13 =	vunpack.i.u.bf16.f32 v10;
	v18 =	vadd.f32 v37, v34;
	v23 =	vadd.f32 v21, v28;
	v17 =	vld [tilespmem:s5+$0xFFFFFFE0]  }
0x98: {  	v21 =	vmul.bf16 v22, v26;
	v22 =	vsel vm0, v30, v27;
	v19 =	vmul.bf16 v29, v36  }
0x99: {  	v26 =	vunpack.i.l.bf16.f32 v38;
	v29 =	vunpack.i.u.bf16.f32 v24;
	v24 =	vunpack.i.l.bf16.f32 v24;
	v27 =	vld [tilespmem:s5+$0xFFFFFF80]  }
0x9a: {  	v34 =	vperm.xlane v22, v1;
	v28 =	vld [tilespmem:s14+$0xFFFFFF90];
	v32 =	vmul.bf16 v33, v35;
	v33 =	vunpack.i.u.bf16.f32 v25  }
.Ltmp0:
0x9b: {  	v20 =	vunpack.i.u.bf16.f32 v15;
	v35 =	vunpack.i.l.bf16.f32 v25;
	v25 =	vunpack.i.l.bf16.f32 v21;
	v30 =	vld [tilespmem:s5+$0xFFFFFF90];
	(pc) =	sbr.rel @p1 .LBB2_4-.Ltmp0, $4  }
0x9c: {  	v21 =	vunpack.i.u.bf16.f32 v21;
	v17 =	vmul.bf16 v31, v17;
	v36 =	vunpack.i.u.bf16.f32 v32  }
0x9d: {  	v25 =	vadd.f32 v25, v21;
	v21 =	vadd.f32 v22, v34;
	v32 =	vunpack.i.l.bf16.f32 v32  }
0x9e: {  	v31 =	vadd.f32 v35, v33;
	v22 =	vmul.bf16 v14, v27;
	v27 =	vadd.f32 v24, v29  }
0x9f: {  	s14 =	sadd.s32 $0x100, s14;
	v33 =	vunpack.i.u.bf16.f32 v38;
	v32 =	vadd.f32 v32, v36;
	v24 =	vperm.xlane v21, v2;
	v29 =	vld [tilespmem:s5+$0xFFFFFFD0];
	s5 =	sadd.s32 $0x100, s5  }
0xa0: {  	v14 =	vmul.bf16 v28, v30  }
0xa1: {  	v16 =	vadd.f32 v23, v16;
	v62 =	vadd.f32 v26, v33;
	v63 =	vunpack.i.u.bf16.f32 v17  }
0xa2: {  	v34 =	vunpack.i.u.bf16.f32 v19;
	v36 =	vunpack.i.l.bf16.f32 v19;
	v15 =	vunpack.i.l.bf16.f32 v15  }
0xa3: {  	v37 =	vunpack.i.u.bf16.f32 v22;
	v38 =	vunpack.i.l.bf16.f32 v22;
	v10 =	vunpack.i.l.bf16.f32 v10  }
0xa4: {  	v40 =	vunpack.i.l.bf16.f32 v17;
	v41 =	vunpack.i.l.bf16.f32 v9;
	v46 =	vadd.f32 v27, v25  }
0xa5: {  	v42 =	vunpack.i.u.bf16.f32 v9;
	v19 =	vadd.f32 v36, v34;
	v15 =	vadd.f32 v15, v20  }
0xa6: {  	v39 =	vadd.f32 v38, v37;
	v10 =	vadd.f32 v10, v13;
	v12 =	vmul.bf16 v12, v29  }
0xa7: {  	v43 =	vadd.f32 v40, v63;
	v9 =	vadd.f32 v41, v42;
	v28 =	vunpack.i.u.bf16.f32 v14  }
0xa8: {  	s4 =	sshll.u32 s0, $0x4;
	v14 =	vunpack.i.l.bf16.f32 v14;
	v35 =	vunpack.i.l.bf16.f32 v12;
	v12 =	vunpack.i.u.bf16.f32 v12  }
0xa9: {  	v44 =	vld.idx.msk [tilespmem:v6+s4+$0x2710 ss:$0x1], $0xffff;
	v14 =	vadd.f32 v14, v28;
	v12 =	vadd.f32 v35, v12  }
0xaa: {  	v45 =	vld.idx.msk [tilespmem:v6+s4+$0x4E20 ss:$0x1], $0xffff;
	v15 =	vadd.f32 v15, v19;
	v9 =	vadd.f32 v9, v43  }
0xab: {  	v14 =	vadd.f32 v14, v39;
	v10 =	vadd.f32 v12, v10  }
0xac: {  	v33 =	vadd.f32 v31, v32;
	v47 =	vadd.f32 v18, v62  }
0xad: {  	v14 =	vadd.f32 v15, v14;
	v9 =	vadd.f32 v9, v10  }
0xae: {  	v48 =	vadd.f32 v33, v16;
	v12 =	vadd.f32 v46, v47  }
0xaf: {  	v49 =	vperm.xlane v14, v0;
	v50 =	vperm.xlane v9, v0  }
0xb0: {  	v16 =	vperm.xlane v48, v0;
	v51 =	vperm.xlane v12, v0  }
0xb1: {  	v52 =	vld.idx.msk [tilespmem:v44+s3+$0x0], $0xffff;
	v13 =	vadd.f32 v14, v49;
	v9 =	vadd.f32 v9, v50  }
0xb2: {  	v53 =	vld.idx.msk [tilespmem:v45+s3+$0x0], $0xffff;
	v10 =	vadd.f32 v48, v16;
	v12 =	vadd.f32 v12, v51  }
0xb3: {  	v9 =	vsel vm0, v13, v9  }
0xb4: {  	v10 =	vsel vm0, v10, v12;
	v54 =	vperm.xlane v9, v1  }
0xb5: {  	v55 =	vperm.xlane v10, v1  }
0xb6: {  	v9 =	vadd.f32 v9, v54  }
0xb7: {  	v57 =	vadd.f32 v21, v24;
	v56 =	vmul.f32 v53, v52;
	v10 =	vadd.f32 v10, v55  }
0xb8: {  	v58 =	vperm.xlane v9, v2  }
0xb9: {  	v60 =	vperm.xlane v57, v3;
	v12 =	vmax.f32 v56, $9.999999970e-07;
	v59 =	vperm.xlane v10, v2  }
0xba: {  	v61 =	vperm.xlane v11, v3;
	(erf) = vrcp.f32 v12;
	v9 =	vadd.f32 v9, v58  }
0xbb: {  	v13 =	vadd.f32 v57, v60;
	v10 =	vadd.f32 v10, v59  }
0xbc: {  	v11 =	vadd.f32 v11, v61;
	v14 =	vperm.xlane v9, v3  }
0xbd: {  	v13 =	vperm.xlane v13, v4;
	v62 =	vperm.xlane v10, v3  }
0xbe: {  	v11 =	vperm.xlane v11, v4;
	v9 =	vadd.f32 v9, v14  }
0xbf: {  	v8 =	vsel vm2, v13, v8;
	v10 =	vadd.f32 v10, v62  }
0xc0: {  	s0 =	sadd.s32 $0x1, s0;
	v63 =	vmov s24;
	v8 =	vsel vm1, v11, v8;
	v9 =	vperm.xlane v9, v4  }
0xc1: {  	p1 =	sne.s32 s0, $0x5;
	vm1 =	veq.s32 v63, v5;
	v10 =	vperm.xlane v10, v4  }
.Ltmp1:
0xc2: {  	vm2 =	veq.s32 v7, v5;
	v7 =	vsel vm1, v9, v8;
	(pc) =	sbr.rel @p1 .LBB2_3-.Ltmp1, $3  }
0xc3: {  	v8 =	vpop (erf);
	v7 =	vsel vm2, v10, v7  }
0xc4: {  	v7 =	vmul.f32 v8, v7;
	_ =	sdelay $0x1  }
0xc5: {  	s31 =	sadd.s32 $0x400, s31;
	s1 =	sadd.s32 $0x400, s1;
	[tilespmem:v6+s4+$0x7530 ss:$0x1] =	vst.idx.msk $0xffff, v7  }
0xc6: {  	s0 =	sadd.s32 $0x27B0, s29  }
0xc7: {  	[tilespmem:s18], [sflag:$0x1] =	stream.indirect.gather [spmem:s2], $0x40, s0, s17, $0xb8;
	[tilespmem:$0x18880] =	vst v63  }
0xc8: {  	s31 =	sadd.s32 $0x4EC0, s29  }
0xc9: {  	[tilespmem:s19], [sflag:$0x1] =	stream.indirect.gather [spmem:s2], $0x40, s31, s17, $0xb8;
	[tilespmem:$0x18880] =	vst v63  }
0xca: {  	_ =	swait.ge [sflag:s23], $0x1400  }
0xcb: {  	[sflag:s23] =	ssyncset.done $0x0  }
0xcc: {  	[sflag:s23] =	ssyncadd.s32 $0xFFFFEC00  }
0xcd: {  	_ =	swait.ge [sflag:s23], $0x1400  }
0xce: {  	s29 =	simm.s32 $0x0;
	s30 =	simm.s32 $0xB0C0;
	[sflag:s23] =	ssyncset.done $0x0  }
0xcf: {  	s1 =	simm.s32 $0xD8C0;
	v6 =	vmov s28;
	s0 =	simm.s32 $0x0;
	[sflag:s23] =	ssyncadd.s32 $0xFFFFEC00  }
.LBB2_7:
0xd0: {  	v7 =	vld [tilespmem:s1+$0x0]  }
0xd1: {  	v8 =	vld [tilespmem:s1+$0x10]  }
0xd2: {  	v9 =	vld [tilespmem:s1+$0x50]  }
0xd3: {  	v10 =	vld [tilespmem:s1+$0x70]  }
0xd4: {  	v11 =	vld [tilespmem:s1+$0x30]  }
0xd5: {  	v12 =	vld [tilespmem:s1+$0xFFFFFFC0]  }
0xd6: {  	v13 =	vld [tilespmem:s1+$0xFFFFFFF0]  }
0xd7: {  	v14 =	vld [tilespmem:s1+$0xFFFFFFB0]  }
0xd8: {  	v15 =	vld [tilespmem:s1+$0x40]  }
0xd9: {  	v16 =	vld [tilespmem:s30+$0x10]  }
0xda: {  	v17 =	vld [tilespmem:s30+$0x0]  }
0xdb: {  	v18 =	vld [tilespmem:s30+$0x40]  }
0xdc: {  	v19 =	vld [tilespmem:s30+$0xFFFFFFC0]  }
0xdd: {  	v20 =	vld [tilespmem:s1+$0x60]  }
0xde: {  	v21 =	vld [tilespmem:s30+$0x30]  }
0xdf: {  	v22 =	vld [tilespmem:s30+$0x50]  }
0xe0: {  	v23 =	vld [tilespmem:s30+$0xFFFFFFF0]  }
0xe1: {  	v24 =	vld [tilespmem:s30+$0x70]  }
0xe2: {  	v26 =	vld [tilespmem:s30+$0x60]  }
0xe3: {  	v29 =	vld [tilespmem:s30+$0xFFFFFF80];
	v8 =	vmul.bf16 v8, v16  }
0xe4: {  	v31 =	vld [tilespmem:s1+$0xFFFFFFD0];
	s5 =	sadd.s32 $0x100, s30;
	v7 =	vmul.bf16 v7, v17;
	v9 =	vmul.bf16 v9, v22  }
0xe5: {  	v60 =	vld [tilespmem:s5+$0x70];
	v12 =	vmul.bf16 v12, v19;
	v13 =	vmul.bf16 v13, v23  }
0xe6: {  	v16 =	vld [tilespmem:s30+$0xFFFFFFB0];
	v10 =	vmul.bf16 v10, v24;
	v15 =	vmul.bf16 v15, v18  }
0xe7: {  	v17 =	vld [tilespmem:s30+$0xFFFFFFA0];
	v20 =	vmul.bf16 v20, v26;
	v25 =	vunpack.i.u.bf16.f32 v8;
	v27 =	vunpack.i.u.bf16.f32 v7  }
0xe8: {  	v22 =	vld [tilespmem:s1+$0xFFFFFFA0];
	v7 =	vunpack.i.l.bf16.f32 v7;
	v23 =	vunpack.i.u.bf16.f32 v9;
	v9 =	vunpack.i.l.bf16.f32 v9  }
0xe9: {  	v19 =	vld [tilespmem:s1+$0x20];
	v8 =	vunpack.i.l.bf16.f32 v8;
	v18 =	vunpack.i.u.bf16.f32 v12;
	v30 =	vunpack.i.l.bf16.f32 v20  }
0xea: {  	v26 =	vld [tilespmem:s30+$0xFFFFFF90];
	v20 =	vunpack.i.u.bf16.f32 v20;
	v12 =	vunpack.i.l.bf16.f32 v12;
	v7 =	vadd.f32 v7, v27  }
0xeb: {  	v8 =	vadd.f32 v8, v25;
	v9 =	vadd.f32 v9, v23;
	v14 =	vmul.bf16 v14, v16;
	v16 =	vld [tilespmem:s30+$0x20]  }
0xec: {  	v23 =	vunpack.i.u.bf16.f32 v10;
	v10 =	vunpack.i.l.bf16.f32 v10;
	v25 =	vld [tilespmem:s1+$0xFFFFFF90];
	v20 =	vadd.f32 v30, v20  }
0xed: {  	v34 =	vld [tilespmem:s5+$0xFFFFFFA0];
	v12 =	vadd.f32 v12, v18;
	v10 =	vadd.f32 v10, v23;
	v17 =	vmul.bf16 v22, v17  }
0xee: {  	v27 =	vld [tilespmem:s1+$0xFFFFFF80];
	v22 =	vunpack.i.l.bf16.f32 v15;
	v15 =	vunpack.i.u.bf16.f32 v15;
	v7 =	vadd.f32 v8, v7  }
0xef: {  	v11 =	vmul.bf16 v11, v21;
	v21 =	vld [tilespmem:s1+$0xFFFFFFE0];
	v15 =	vadd.f32 v22, v15;
	v10 =	vadd.f32 v10, v20  }
0xf0: {  	v24 =	vld [tilespmem:s30+$0xFFFFFFE0];
	v28 =	vunpack.i.u.bf16.f32 v14;
	v14 =	vunpack.i.l.bf16.f32 v14;
	v16 =	vmul.bf16 v19, v16  }
0xf1: {  	v18 =	vld [tilespmem:s5+$0xFFFFFFC0];
	v8 =	vmul.bf16 v25, v26;
	v19 =	vunpack.i.u.bf16.f32 v11;
	v11 =	vunpack.i.l.bf16.f32 v11  }
0xf2: {  	s14 =	sadd.s32 $0x100, s1;
	v11 =	vadd.f32 v11, v19;
	v19 =	vld [tilespmem:s30+$0xFFFFFFD0];
	v32 =	vunpack.i.u.bf16.f32 v16;
	v16 =	vunpack.i.l.bf16.f32 v16  }
0xf3: {  	v23 =	vld [tilespmem:s14+$0x0];
	v22 =	vmul.bf16 v27, v29;
	v9 =	vadd.f32 v9, v15;
	v16 =	vadd.f32 v16, v32  }
0xf4: {  	v20 =	vld [tilespmem:s14+$0x50];
	v15 =	vunpack.i.u.bf16.f32 v17;
	v17 =	vunpack.i.l.bf16.f32 v17;
	v14 =	vadd.f32 v14, v28  }
0xf5: {  	v26 =	vld [tilespmem:s14+$0x30];
	v15 =	vadd.f32 v17, v15;
	v25 =	vunpack.i.u.bf16.f32 v8;
	v11 =	vadd.f32 v11, v16  }
0xf6: {  	v29 =	vld [tilespmem:s14+$0xFFFFFFF0];
	v8 =	vunpack.i.l.bf16.f32 v8;
	v9 =	vadd.f32 v10, v9;
	v30 =	vunpack.i.u.bf16.f32 v22  }
0xf7: {  	v28 =	vld [tilespmem:s14+$0x40];
	v22 =	vunpack.i.l.bf16.f32 v22;
	v19 =	vmul.bf16 v31, v19;
	v7 =	vadd.f32 v11, v7  }
0xf8: {  	v21 =	vmul.bf16 v21, v24;
	v17 =	vld [tilespmem:s14+$0xFFFFFFB0];
	v8 =	vadd.f32 v8, v25;
	v22 =	vadd.f32 v22, v30  }
0xf9: {  	v16 =	vld [tilespmem:s14+$0x10];
	v27 =	vunpack.i.l.bf16.f32 v19;
	v19 =	vunpack.i.u.bf16.f32 v19;
	v10 =	vperm.xlane v7, v0  }
0xfa: {  	v24 =	vunpack.i.u.bf16.f32 v21;
	v14 =	vadd.f32 v14, v15;
	v19 =	vadd.f32 v27, v19;
	v27 =	vld [tilespmem:s5+$0x0]  }
0xfb: {  	v15 =	vunpack.i.l.bf16.f32 v21;
	v21 =	vunpack.i.l.bf16.f32 v13;
	v7 =	vadd.f32 v7, v10;
	v10 =	vld [tilespmem:s5+$0x10]  }
0xfc: {  	s4 =	simm.s32 $0x1;
	v25 =	vld [tilespmem:s14+$0xFFFFFFC0];
	v13 =	vunpack.i.u.bf16.f32 v13;
	v30 =	vperm.xlane v9, v0;
	v8 =	vadd.f32 v8, v22  }
0xfd: {  	v15 =	vadd.f32 v15, v24;
	v24 =	vld [tilespmem:s14+$0x60];
	v13 =	vadd.f32 v21, v13;
	v21 =	vmov s4  }
0xfe: {  	v22 =	vld [tilespmem:s5+$0x40];
	vm1 =	veq.s32 v21, v5;
	v9 =	vadd.f32 v9, v30;
	v14 =	vadd.f32 v14, v8  }
0xff: {  	v21 =	vld [tilespmem:s14+$0xFFFFFFA0];
	v13 =	vadd.f32 v13, v15;
	v12 =	vadd.f32 v19, v12;
	v15 =	vmul.bf16 v23, v27  }
0x100: {  	v19 =	vld [tilespmem:s5+$0x50];
	v9 =	vsel vm0, v7, v9;
	v30 =	vmul.bf16 v16, v10;
	v10 =	vperm.xlane v14, v0  }
0x101: {  	v31 =	vld [tilespmem:s5+$0x30];
	v12 =	vadd.f32 v13, v12;
	v16 =	vperm.xlane v9, v1  }
0x102: {  	v13 =	vunpack.i.l.bf16.f32 v15;
	v14 =	vadd.f32 v14, v10;
	v10 =	vunpack.i.u.bf16.f32 v15;
	v15 =	vld [tilespmem:s5+$0xFFFFFFB0]  }
0x103: {  	v11 =	vld [tilespmem:s14+$0x70]  }
0x104: {  	v8 =	vimm.f32 $0.0e+00;
	v36 =	vmul.bf16 v28, v22;
	v23 =	vld [tilespmem:s5+$0xFFFFFFF0];
	v33 =	vadd.f32 v9, v16  }
0x105: {  	v16 =	vadd.f32 v13, v10;
	v10 =	vmul.bf16 v25, v18;
	v18 =	vmul.bf16 v20, v19;
	v20 =	vld [tilespmem:s5+$0x60]  }
0x106: {  	v31 =	vmul.bf16 v26, v31;
	v26 =	vunpack.i.l.bf16.f32 v36;
	v27 =	vunpack.i.u.bf16.f32 v30;
	v25 =	vld [tilespmem:s14+$0x20]  }
0x107: {  	s31 =	simm.s32 $0x3;
	v13 =	vperm.xlane v12, v0;
	v15 =	vmul.bf16 v17, v15;
	v17 =	vunpack.i.l.bf16.f32 v30;
	v30 =	vld [tilespmem:s5+$0x20]  }
0x108: {  	v32 =	vmul.bf16 v11, v60;
	v7 =	vmov s31;
	v61 =	vunpack.i.u.bf16.f32 v31  }
0x109: {  	v31 =	vunpack.i.l.bf16.f32 v31;
	v19 =	vperm.xlane v33, v2;
	v12 =	vadd.f32 v12, v13  }
0x10a: {  	v35 =	vld [tilespmem:s14+$0xFFFFFFE0];
	v31 =	vadd.f32 v31, v61;
	v9 =	vmul.bf16 v29, v23;
	v13 =	vmov s29  }
0x10b: {  	v22 =	vld [tilespmem:s5+$0xFFFFFFE0];
	v11 =	vadd.f32 v33, v19;
	v19 =	vmul.bf16 v21, v34;
	v14 =	vsel vm0, v14, v12  }
0x10c: {  	v23 =	vadd.f32 v17, v27;
	v27 =	vld [tilespmem:s14+$0xFFFFFF80];
	v21 =	vmul.bf16 v24, v20;
	v25 =	vmul.bf16 v25, v30  }
0x10d: {  	v29 =	vunpack.i.u.bf16.f32 v18;
	v18 =	vunpack.i.l.bf16.f32 v18;
	v24 =	vld [tilespmem:s5+$0xFFFFFF80];
	v30 =	vperm.xlane v14, v1  }
0x10e: {  	v28 =	vld [tilespmem:s14+$0xFFFFFF90];
	v62 =	vunpack.i.l.bf16.f32 v21;
	v21 =	vunpack.i.u.bf16.f32 v21;
	v63 =	vunpack.i.u.bf16.f32 v25  }
0x10f: {  	v37 =	vunpack.i.l.bf16.f32 v25;
	v25 =	vadd.f32 v62, v21;
	v21 =	vadd.f32 v14, v30;
	v30 =	vld [tilespmem:s5+$0xFFFFFF90]  }
0x110: {  	vm2 =	veq.s32 v13, v5;
	v13 =	vunpack.i.u.bf16.f32 v10;
	v18 =	vadd.f32 v18, v29  }
0x111: {  	v29 =	vunpack.i.u.bf16.f32 v32;
	v32 =	vunpack.i.l.bf16.f32 v32;
	v33 =	vunpack.i.u.bf16.f32 v36  }
0x112: {  	s24 =	simm.s32 $0x2;
	v12 =	vld [tilespmem:s14+$0xFFFFFFD0];
	v17 =	vmul.bf16 v35, v22;
	v20 =	vunpack.i.u.bf16.f32 v15;
	v22 =	vmul.bf16 v27, v24  }
0x113: {  	s4 =	simm.s32 $0x4;
	s14 =	sadd.s32 $0x100, s14;
	v27 =	vadd.f32 v32, v29;
	v29 =	vld [tilespmem:s5+$0xFFFFFFD0];
	s5 =	sadd.s32 $0x100, s5;
	v32 =	vadd.f32 v37, v63;
	v24 =	vperm.xlane v21, v2  }
.LBB2_8:
0x114: {  	v14 =	vld [tilespmem:s14+$0xFFFFFF80];
	p1 =	slt.u32 s4, $0x6;
	v28 =	vmul.bf16 v28, v30;
	v16 =	vadd.f32 v23, v16;
	v23 =	vadd.f32 v26, v33;
	s6 =	smov.u32 s4;
	s4 =	sadd.s32 $0x2, s4  }
0x115: {  	v30 =	vunpack.i.u.bf16.f32 v17;
	v25 =	vadd.f32 v27, v25;
	v26 =	vld [tilespmem:s14+$0x0];
	v31 =	vadd.f32 v31, v32  }
0x116: {  	v21 =	vadd.f32 v21, v24;
	v27 =	vld [tilespmem:s14+$0x10];
	v32 =	vunpack.i.u.bf16.f32 v28;
	v18 =	vadd.f32 v18, v23  }
0x117: {  	v24 =	vunpack.i.l.bf16.f32 v28;
	v28 =	vunpack.i.u.bf16.f32 v19;
	v23 =	vld [tilespmem:s14+$0x50];
	v16 =	vadd.f32 v31, v16  }
0x118: {  	v31 =	vld [tilespmem:s14+$0x70];
	v29 =	vmul.bf16 v12, v29;
	v18 =	vadd.f32 v25, v18;
	v12 =	vperm.xlane v21, v3  }
0x119: {  	v33 =	vperm.xlane v11, v3;
	v24 =	vadd.f32 v24, v32;
	v25 =	vld [tilespmem:s14+$0x30];
	v32 =	vperm.xlane v16, v0  }
0x11a: {  	v34 =	vld [tilespmem:s14+$0xFFFFFFC0];
	v35 =	vunpack.i.l.bf16.f32 v29;
	v36 =	vperm.xlane v18, v0;
	v21 =	vadd.f32 v21, v12  }
0x11b: {  	v15 =	vunpack.i.l.bf16.f32 v15;
	v19 =	vunpack.i.l.bf16.f32 v19;
	v37 =	vld [tilespmem:s14+$0xFFFFFFF0];
	v16 =	vadd.f32 v16, v32  }
0x11c: {  	v15 =	vadd.f32 v15, v20;
	v19 =	vadd.f32 v19, v28;
	v12 =	vld [tilespmem:s14+$0xFFFFFFD0];
	v20 =	vperm.xlane v21, v4  }
0x11d: {  	v28 =	vunpack.i.u.bf16.f32 v22;
	v22 =	vunpack.i.l.bf16.f32 v22;
	v29 =	vunpack.i.u.bf16.f32 v29;
	v21 =	vld [tilespmem:s14+$0xFFFFFFB0]  }
0x11e: {  	v11 =	vadd.f32 v11, v33;
	v22 =	vadd.f32 v22, v28;
	v32 =	vld [tilespmem:s14+$0x40];
	v8 =	vsel vm2, v20, v8  }
0x11f: {  	v10 =	vunpack.i.l.bf16.f32 v10;
	v28 =	vadd.f32 v35, v29;
	v18 =	vadd.f32 v18, v36;
	v20 =	vld [tilespmem:s5+$0x10]  }
0x120: {  	v11 =	vperm.xlane v11, v4;
	v15 =	vadd.f32 v15, v19;
	v22 =	vadd.f32 v24, v22;
	v29 =	vld [tilespmem:s5+$0x0]  }
0x121: {  	v17 =	vunpack.i.l.bf16.f32 v17;
	v10 =	vadd.f32 v10, v13;
	v24 =	vunpack.i.l.bf16.f32 v9;
	v19 =	vld [tilespmem:s5+$0x40]  }
0x122: {  	v17 =	vadd.f32 v17, v30;
	v9 =	vunpack.i.u.bf16.f32 v9;
	v15 =	vadd.f32 v15, v22;
	v13 =	vld [tilespmem:s5+$0xFFFFFFC0]  }
0x123: {  	v9 =	vadd.f32 v24, v9;
	v18 =	vsel vm0, v16, v18;
	v8 =	vsel vm1, v11, v8;
	v22 =	vld [tilespmem:s14+$0x60]  }
0x124: {  	v10 =	vadd.f32 v28, v10;
	v16 =	vperm.xlane v15, v0;
	v11 =	vmul.bf16 v27, v20;
	v20 =	vld [tilespmem:s5+$0x30]  }
0x125: {  	s16 =	sadd.s32 $0x1, s6;
	v9 =	vadd.f32 v9, v17;
	v17 =	vperm.xlane v18, v1;
	v24 =	vmul.bf16 v26, v29;
	v26 =	vld [tilespmem:s5+$0x50]  }
0x126: {  	v30 =	vadd.f32 v15, v16;
	v29 =	vmov s16;
	v27 =	vld [tilespmem:s5+$0xFFFFFFF0];
	v28 =	vunpack.i.u.bf16.f32 v11  }
0x127: {  	v33 =	vadd.f32 v9, v10;
	v15 =	vunpack.i.u.bf16.f32 v24;
	v16 =	vunpack.i.l.bf16.f32 v24;
	v24 =	vld [tilespmem:s5+$0x70]  }
0x128: {  	v17 =	vadd.f32 v18, v17;
	v35 =	vld [tilespmem:s5+$0xFFFFFFB0];
	v16 =	vadd.f32 v16, v15  }
0x129: {  	v10 =	vmul.bf16 v34, v13;
	v13 =	vperm.xlane v33, v0;
	v36 =	vld [tilespmem:s5+$0xFFFFFFA0]  }
0x12a: {  	vm1 =	veq.s32 v7, v5;
	v18 =	vperm.xlane v17, v2;
	v7 =	vmovc v29;
	v15 =	vmul.bf16 v23, v26;
	v26 =	vld [tilespmem:s5+$0x60]  }
0x12b: {  	v29 =	vld [tilespmem:s14+$0xFFFFFFA0];
	v9 =	vmul.bf16 v37, v27;
	v27 =	vadd.f32 v33, v13;
	v13 =	vmov s24;
	s24 =	smov.u32 s6  }
0x12c: {  	v33 =	vld [tilespmem:s14+$0x20];
	v34 =	vunpack.i.u.bf16.f32 v15;
	v37 =	vunpack.i.l.bf16.f32 v15;
	vm2 =	veq.s32 v13, v5  }
0x12d: {  	v24 =	vmul.bf16 v31, v24;
	v15 =	vmul.bf16 v21, v35;
	v21 =	vunpack.i.l.bf16.f32 v11;
	v35 =	vld [tilespmem:s5+$0x20]  }
0x12e: {  	v38 =	vmul.bf16 v32, v19;
	v25 =	vmul.bf16 v25, v20;
	v11 =	vadd.f32 v17, v18;
	v31 =	vld [tilespmem:s14+$0xFFFFFFE0]  }
0x12f: {  	v13 =	vunpack.i.u.bf16.f32 v10;
	v18 =	vadd.f32 v37, v34;
	v23 =	vadd.f32 v21, v28;
	v17 =	vld [tilespmem:s5+$0xFFFFFFE0]  }
0x130: {  	v21 =	vmul.bf16 v22, v26;
	v22 =	vsel vm0, v30, v27;
	v19 =	vmul.bf16 v29, v36  }
0x131: {  	v26 =	vunpack.i.l.bf16.f32 v38;
	v29 =	vunpack.i.u.bf16.f32 v24;
	v24 =	vunpack.i.l.bf16.f32 v24;
	v27 =	vld [tilespmem:s5+$0xFFFFFF80]  }
0x132: {  	v34 =	vperm.xlane v22, v1;
	v28 =	vld [tilespmem:s14+$0xFFFFFF90];
	v32 =	vmul.bf16 v33, v35;
	v33 =	vunpack.i.u.bf16.f32 v25  }
.Ltmp2:
0x133: {  	v20 =	vunpack.i.u.bf16.f32 v15;
	v35 =	vunpack.i.l.bf16.f32 v25;
	v25 =	vunpack.i.l.bf16.f32 v21;
	v30 =	vld [tilespmem:s5+$0xFFFFFF90];
	(pc) =	sbr.rel @p1 .LBB2_8-.Ltmp2, $4  }
0x134: {  	v21 =	vunpack.i.u.bf16.f32 v21;
	v17 =	vmul.bf16 v31, v17;
	v36 =	vunpack.i.u.bf16.f32 v32  }
0x135: {  	v25 =	vadd.f32 v25, v21;
	v21 =	vadd.f32 v22, v34;
	v32 =	vunpack.i.l.bf16.f32 v32  }
0x136: {  	v31 =	vadd.f32 v35, v33;
	v22 =	vmul.bf16 v14, v27;
	v27 =	vadd.f32 v24, v29  }
0x137: {  	s14 =	sadd.s32 $0x100, s14;
	v33 =	vunpack.i.u.bf16.f32 v38;
	v32 =	vadd.f32 v32, v36;
	v24 =	vperm.xlane v21, v2;
	v29 =	vld [tilespmem:s5+$0xFFFFFFD0];
	s5 =	sadd.s32 $0x100, s5  }
0x138: {  	v14 =	vmul.bf16 v28, v30  }
0x139: {  	v16 =	vadd.f32 v23, v16;
	v62 =	vadd.f32 v26, v33;
	v63 =	vunpack.i.u.bf16.f32 v17  }
0x13a: {  	v34 =	vunpack.i.u.bf16.f32 v19;
	v36 =	vunpack.i.l.bf16.f32 v19;
	v15 =	vunpack.i.l.bf16.f32 v15  }
0x13b: {  	v37 =	vunpack.i.u.bf16.f32 v22;
	v38 =	vunpack.i.l.bf16.f32 v22;
	v10 =	vunpack.i.l.bf16.f32 v10  }
0x13c: {  	v40 =	vunpack.i.l.bf16.f32 v17;
	v41 =	vunpack.i.l.bf16.f32 v9;
	v46 =	vadd.f32 v27, v25  }
0x13d: {  	v42 =	vunpack.i.u.bf16.f32 v9;
	v19 =	vadd.f32 v36, v34;
	v15 =	vadd.f32 v15, v20  }
0x13e: {  	v39 =	vadd.f32 v38, v37;
	v10 =	vadd.f32 v10, v13;
	v12 =	vmul.bf16 v12, v29  }
0x13f: {  	v43 =	vadd.f32 v40, v63;
	v9 =	vadd.f32 v41, v42;
	v28 =	vunpack.i.u.bf16.f32 v14  }
0x140: {  	s4 =	sshll.u32 s0, $0x4;
	v14 =	vunpack.i.l.bf16.f32 v14;
	v35 =	vunpack.i.l.bf16.f32 v12;
	v12 =	vunpack.i.u.bf16.f32 v12  }
0x141: {  	v44 =	vld.idx.msk [tilespmem:v6+s4+$0x2710 ss:$0x1], $0xffff;
	v14 =	vadd.f32 v14, v28;
	v12 =	vadd.f32 v35, v12  }
0x142: {  	v45 =	vld.idx.msk [tilespmem:v6+s4+$0x4E20 ss:$0x1], $0xffff;
	v15 =	vadd.f32 v15, v19;
	v9 =	vadd.f32 v9, v43  }
0x143: {  	v14 =	vadd.f32 v14, v39;
	v10 =	vadd.f32 v12, v10  }
0x144: {  	v33 =	vadd.f32 v31, v32;
	v47 =	vadd.f32 v18, v62  }
0x145: {  	v14 =	vadd.f32 v15, v14;
	v9 =	vadd.f32 v9, v10  }
0x146: {  	v48 =	vadd.f32 v33, v16;
	v12 =	vadd.f32 v46, v47  }
0x147: {  	v49 =	vperm.xlane v14, v0;
	v50 =	vperm.xlane v9, v0  }
0x148: {  	v16 =	vperm.xlane v48, v0;
	v51 =	vperm.xlane v12, v0  }
0x149: {  	v52 =	vld.idx.msk [tilespmem:v44+s3+$0x0], $0xffff;
	v13 =	vadd.f32 v14, v49;
	v9 =	vadd.f32 v9, v50  }
0x14a: {  	v53 =	vld.idx.msk [tilespmem:v45+s3+$0x0], $0xffff;
	v10 =	vadd.f32 v48, v16;
	v12 =	vadd.f32 v12, v51  }
0x14b: {  	v9 =	vsel vm0, v13, v9  }
0x14c: {  	v10 =	vsel vm0, v10, v12;
	v54 =	vperm.xlane v9, v1  }
0x14d: {  	v55 =	vperm.xlane v10, v1  }
0x14e: {  	v9 =	vadd.f32 v9, v54  }
0x14f: {  	v57 =	vadd.f32 v21, v24;
	v56 =	vmul.f32 v53, v52;
	v10 =	vadd.f32 v10, v55  }
0x150: {  	v58 =	vperm.xlane v9, v2  }
0x151: {  	v60 =	vperm.xlane v57, v3;
	v12 =	vmax.f32 v56, $9.999999970e-07;
	v59 =	vperm.xlane v10, v2  }
0x152: {  	v61 =	vperm.xlane v11, v3;
	(erf) = vrcp.f32 v12;
	v9 =	vadd.f32 v9, v58  }
0x153: {  	v13 =	vadd.f32 v57, v60;
	v10 =	vadd.f32 v10, v59  }
0x154: {  	v11 =	vadd.f32 v11, v61;
	v14 =	vperm.xlane v9, v3  }
0x155: {  	v13 =	vperm.xlane v13, v4;
	v62 =	vperm.xlane v10, v3  }
0x156: {  	v11 =	vperm.xlane v11, v4;
	v9 =	vadd.f32 v9, v14  }
0x157: {  	v8 =	vsel vm2, v13, v8;
	v10 =	vadd.f32 v10, v62  }
0x158: {  	s0 =	sadd.s32 $0x1, s0;
	v63 =	vmov s24;
	v8 =	vsel vm1, v11, v8;
	v9 =	vperm.xlane v9, v4  }
0x159: {  	p1 =	sne.s32 s0, $0x5;
	vm1 =	veq.s32 v63, v5;
	v10 =	vperm.xlane v10, v4  }
.Ltmp3:
0x15a: {  	vm2 =	veq.s32 v7, v5;
	v7 =	vsel vm1, v9, v8;
	(pc) =	sbr.rel @p1 .LBB2_7-.Ltmp3, $3  }
0x15b: {  	v8 =	vpop (erf);
	v7 =	vsel vm2, v10, v7  }
0x15c: {  	v7 =	vmul.f32 v8, v7;
	_ =	sdelay $0x1  }
0x15d: {  	s30 =	sadd.s32 $0x400, s30;
	s1 =	sadd.s32 $0x400, s1;
	[tilespmem:v6+s4+$0x7530 ss:$0x1] =	vst.idx.msk $0xffff, v7  }
0x15e: {  	s26 =	sadd.s32 $0x1, s26  }
0x15f: {  	p1 =	sne.s32 s26, $0x3E  }
.Ltmp4:
0x160: {  	_ = 	snop;
	(pc) =	sbr.rel @p1 .LBB2_2-.Ltmp4, $1  }
0x161: {  	_ =	sdelay $0x3  }
0x162: {  	_ =	swait.ge [sflag:s22], $0x1400  }
0x163: {  	[sflag:s22] =	ssyncset.done $0x0  }
0x164: {  	[sflag:s22] =	ssyncadd.s32 $0xFFFFEC00  }
0x165: {  	_ =	swait.ge [sflag:s22], $0x1400  }
0x166: {  	s26 =	simm.s32 $0x0;
	s1 =	simm.s32 $0x9CC0;
	[sflag:s22] =	ssyncset.done $0x0  }
0x167: {  	s28 =	simm.s32 $0xC4C0;
	s0 =	simm.s32 $0x0;
	[sflag:s22] =	ssyncadd.s32 $0xFFFFEC00  }
.LBB2_12:
0x168: {  	v6 =	vld [tilespmem:s28+$0x0]  }
0x169: {  	v7 =	vld [tilespmem:s28+$0x10]  }
0x16a: {  	v8 =	vld [tilespmem:s28+$0x50]  }
0x16b: {  	v9 =	vld [tilespmem:s28+$0x70]  }
0x16c: {  	v10 =	vld [tilespmem:s28+$0x30]  }
0x16d: {  	v11 =	vld [tilespmem:s28+$0xFFFFFFC0]  }
0x16e: {  	v12 =	vld [tilespmem:s28+$0xFFFFFFF0]  }
0x16f: {  	v13 =	vld [tilespmem:s28+$0xFFFFFFB0]  }
0x170: {  	v14 =	vld [tilespmem:s28+$0x40]  }
0x171: {  	v15 =	vld [tilespmem:s1+$0x10]  }
0x172: {  	v16 =	vld [tilespmem:s1+$0x0]  }
0x173: {  	v17 =	vld [tilespmem:s1+$0x40]  }
0x174: {  	v18 =	vld [tilespmem:s1+$0xFFFFFFC0]  }
0x175: {  	v19 =	vld [tilespmem:s28+$0x60]  }
0x176: {  	v21 =	vld [tilespmem:s1+$0x50]  }
0x177: {  	v22 =	vld [tilespmem:s1+$0xFFFFFFF0]  }
0x178: {  	v23 =	vld [tilespmem:s1+$0x70]  }
0x179: {  	v20 =	vld [tilespmem:s1+$0x30]  }
0x17a: {  	v25 =	vld [tilespmem:s1+$0x60]  }
0x17b: {  	v28 =	vld [tilespmem:s1+$0xFFFFFF80];
	v7 =	vmul.bf16 v7, v15;
	v6 =	vmul.bf16 v6, v16  }
0x17c: {  	v15 =	vld [tilespmem:s1+$0xFFFFFFB0];
	v8 =	vmul.bf16 v8, v21;
	v11 =	vmul.bf16 v11, v18  }
0x17d: {  	v16 =	vld [tilespmem:s1+$0xFFFFFFA0];
	v12 =	vmul.bf16 v12, v22;
	v9 =	vmul.bf16 v9, v23  }
0x17e: {  	v21 =	vld [tilespmem:s28+$0xFFFFFFA0];
	v10 =	vmul.bf16 v10, v20;
	v14 =	vmul.bf16 v14, v17  }
0x17f: {  	v18 =	vld [tilespmem:s28+$0x20];
	v19 =	vmul.bf16 v19, v25;
	v24 =	vunpack.i.u.bf16.f32 v7;
	v26 =	vunpack.i.u.bf16.f32 v6  }
0x180: {  	v20 =	vld [tilespmem:s28+$0xFFFFFFE0];
	v6 =	vunpack.i.l.bf16.f32 v6;
	v22 =	vunpack.i.u.bf16.f32 v8;
	v8 =	vunpack.i.l.bf16.f32 v8  }
0x181: {  	v23 =	vld [tilespmem:s1+$0xFFFFFFE0];
	v7 =	vunpack.i.l.bf16.f32 v7;
	v17 =	vunpack.i.u.bf16.f32 v11;
	v29 =	vunpack.i.l.bf16.f32 v19  }
0x182: {  	v25 =	vld [tilespmem:s1+$0xFFFFFF90];
	v19 =	vunpack.i.u.bf16.f32 v19;
	v11 =	vunpack.i.l.bf16.f32 v11;
	v6 =	vadd.f32 v6, v26  }
0x183: {  	v7 =	vadd.f32 v7, v24;
	v8 =	vadd.f32 v8, v22;
	v13 =	vmul.bf16 v13, v15;
	v15 =	vld [tilespmem:s1+$0x20]  }
0x184: {  	v22 =	vunpack.i.u.bf16.f32 v9;
	v9 =	vunpack.i.l.bf16.f32 v9;
	v24 =	vld [tilespmem:s28+$0xFFFFFF90];
	v19 =	vadd.f32 v29, v19  }
0x185: {  	v30 =	vld [tilespmem:s28+$0xFFFFFFD0];
	v11 =	vadd.f32 v11, v17;
	v9 =	vadd.f32 v9, v22;
	v16 =	vmul.bf16 v21, v16  }
0x186: {  	s5 =	sadd.s32 $0x100, s1;
	v26 =	vld [tilespmem:s28+$0xFFFFFF80];
	v21 =	vunpack.i.l.bf16.f32 v14;
	v14 =	vunpack.i.u.bf16.f32 v14;
	v6 =	vadd.f32 v7, v6  }
0x187: {  	v33 =	vld [tilespmem:s5+$0xFFFFFFA0];
	v20 =	vmul.bf16 v20, v23;
	v14 =	vadd.f32 v21, v14;
	v9 =	vadd.f32 v9, v19  }
0x188: {  	s14 =	sadd.s32 $0x100, s28;
	v17 =	vld [tilespmem:s5+$0xFFFFFFC0];
	v27 =	vunpack.i.u.bf16.f32 v13;
	v13 =	vunpack.i.l.bf16.f32 v13;
	v15 =	vmul.bf16 v18, v15  }
0x189: {  	v22 =	vld [tilespmem:s14+$0x0];
	v7 =	vmul.bf16 v24, v25;
	v18 =	vunpack.i.u.bf16.f32 v10;
	v10 =	vunpack.i.l.bf16.f32 v10  }
0x18a: {  	v10 =	vadd.f32 v10, v18;
	v18 =	vld [tilespmem:s1+$0xFFFFFFD0];
	v31 =	vunpack.i.u.bf16.f32 v15;
	v15 =	vunpack.i.l.bf16.f32 v15  }
0x18b: {  	v19 =	vld [tilespmem:s14+$0x50];
	v21 =	vmul.bf16 v26, v28;
	v8 =	vadd.f32 v8, v14;
	v15 =	vadd.f32 v15, v31  }
0x18c: {  	v14 =	vunpack.i.u.bf16.f32 v16;
	v25 =	vld [tilespmem:s14+$0x30];
	v16 =	vunpack.i.l.bf16.f32 v16;
	v13 =	vadd.f32 v13, v27  }
0x18d: {  	v28 =	vld [tilespmem:s14+$0xFFFFFFF0];
	v14 =	vadd.f32 v16, v14;
	v24 =	vunpack.i.u.bf16.f32 v7;
	v10 =	vadd.f32 v10, v15  }
0x18e: {  	v27 =	vld [tilespmem:s14+$0x40];
	v7 =	vunpack.i.l.bf16.f32 v7;
	v8 =	vadd.f32 v9, v8;
	v29 =	vunpack.i.u.bf16.f32 v21  }
0x18f: {  	v16 =	vld [tilespmem:s14+$0xFFFFFFB0];
	v21 =	vunpack.i.l.bf16.f32 v21;
	v18 =	vmul.bf16 v30, v18;
	v6 =	vadd.f32 v10, v6  }
0x190: {  	v23 =	vunpack.i.u.bf16.f32 v20;
	v7 =	vadd.f32 v7, v24;
	v24 =	vld [tilespmem:s14+$0xFFFFFFC0];
	v21 =	vadd.f32 v21, v29  }
0x191: {  	v15 =	vld [tilespmem:s14+$0x10];
	v26 =	vunpack.i.l.bf16.f32 v18;
	v18 =	vunpack.i.u.bf16.f32 v18;
	v9 =	vperm.xlane v6, v0  }
0x192: {  	v13 =	vadd.f32 v13, v14;
	v14 =	vunpack.i.l.bf16.f32 v20;
	v18 =	vadd.f32 v26, v18;
	v26 =	vld [tilespmem:s5+$0x0]  }
0x193: {  	v20 =	vunpack.i.l.bf16.f32 v12;
	v12 =	vunpack.i.u.bf16.f32 v12;
	v6 =	vadd.f32 v6, v9;
	v9 =	vld [tilespmem:s5+$0x10]  }
0x194: {  	s4 =	simm.s32 $0x1;
	v29 =	vperm.xlane v8, v0;
	v14 =	vadd.f32 v14, v23;
	v23 =	vld [tilespmem:s14+$0x60];
	v7 =	vadd.f32 v7, v21  }
0x195: {  	v12 =	vadd.f32 v20, v12;
	v20 =	vmov s4;
	v21 =	vld [tilespmem:s5+$0x40]  }
0x196: {  	v31 =	vld [tilespmem:s5+$0x70];
	vm1 =	veq.s32 v20, v5;
	v8 =	vadd.f32 v8, v29;
	v13 =	vadd.f32 v13, v7  }
0x197: {  	v20 =	vld [tilespmem:s14+$0xFFFFFFA0];
	v12 =	vadd.f32 v12, v14;
	v11 =	vadd.f32 v18, v11;
	v14 =	vmul.bf16 v22, v26  }
0x198: {  	v18 =	vld [tilespmem:s5+$0x50];
	v8 =	vsel vm0, v6, v8;
	v29 =	vmul.bf16 v15, v9;
	v9 =	vperm.xlane v13, v0  }
0x199: {  	v30 =	vld [tilespmem:s5+$0x30];
	v11 =	vadd.f32 v12, v11;
	v15 =	vperm.xlane v8, v1  }
0x19a: {  	v12 =	vunpack.i.l.bf16.f32 v14;
	v13 =	vadd.f32 v13, v9;
	v9 =	vunpack.i.u.bf16.f32 v14;
	v14 =	vld [tilespmem:s5+$0xFFFFFFB0]  }
0x19b: {  	v10 =	vld [tilespmem:s14+$0x70]  }
0x19c: {  	v7 =	vimm.f32 $0.0e+00;
	v35 =	vmul.bf16 v27, v21;
	v22 =	vld [tilespmem:s5+$0xFFFFFFF0];
	v32 =	vadd.f32 v8, v15  }
0x19d: {  	v15 =	vadd.f32 v12, v9;
	v9 =	vmul.bf16 v24, v17;
	v17 =	vmul.bf16 v19, v18;
	v19 =	vld [tilespmem:s5+$0x60]  }
0x19e: {  	v30 =	vmul.bf16 v25, v30;
	v25 =	vunpack.i.l.bf16.f32 v35;
	v26 =	vunpack.i.u.bf16.f32 v29;
	v24 =	vld [tilespmem:s14+$0x20]  }
0x19f: {  	s31 =	simm.s32 $0x3;
	v12 =	vperm.xlane v11, v0;
	v14 =	vmul.bf16 v16, v14;
	v16 =	vunpack.i.l.bf16.f32 v29;
	v29 =	vld [tilespmem:s5+$0x20]  }
0x1a0: {  	v31 =	vmul.bf16 v10, v31;
	v6 =	vmov s31;
	v61 =	vunpack.i.u.bf16.f32 v30  }
0x1a1: {  	v30 =	vunpack.i.l.bf16.f32 v30;
	v18 =	vperm.xlane v32, v2;
	v11 =	vadd.f32 v11, v12  }
0x1a2: {  	v34 =	vld [tilespmem:s14+$0xFFFFFFE0];
	v30 =	vadd.f32 v30, v61;
	v8 =	vmul.bf16 v28, v22;
	v12 =	vmov s26  }
0x1a3: {  	v21 =	vld [tilespmem:s5+$0xFFFFFFE0];
	v10 =	vadd.f32 v32, v18;
	v18 =	vmul.bf16 v20, v33;
	v13 =	vsel vm0, v13, v11  }
0x1a4: {  	v22 =	vadd.f32 v16, v26;
	v26 =	vld [tilespmem:s14+$0xFFFFFF80];
	v20 =	vmul.bf16 v23, v19;
	v24 =	vmul.bf16 v24, v29  }
0x1a5: {  	v28 =	vunpack.i.u.bf16.f32 v17;
	v17 =	vunpack.i.l.bf16.f32 v17;
	v23 =	vld [tilespmem:s5+$0xFFFFFF80];
	v29 =	vperm.xlane v13, v1  }
0x1a6: {  	v27 =	vld [tilespmem:s14+$0xFFFFFF90];
	v62 =	vunpack.i.l.bf16.f32 v20;
	v20 =	vunpack.i.u.bf16.f32 v20;
	v63 =	vunpack.i.u.bf16.f32 v24  }
0x1a7: {  	v36 =	vunpack.i.l.bf16.f32 v24;
	v24 =	vadd.f32 v62, v20;
	v20 =	vadd.f32 v13, v29;
	v29 =	vld [tilespmem:s5+$0xFFFFFF90]  }
0x1a8: {  	vm2 =	veq.s32 v12, v5;
	v12 =	vunpack.i.u.bf16.f32 v9;
	v17 =	vadd.f32 v17, v28  }
0x1a9: {  	v28 =	vunpack.i.u.bf16.f32 v31;
	v31 =	vunpack.i.l.bf16.f32 v31;
	v32 =	vunpack.i.u.bf16.f32 v35  }
0x1aa: {  	s24 =	simm.s32 $0x2;
	v11 =	vld [tilespmem:s14+$0xFFFFFFD0];
	v16 =	vmul.bf16 v34, v21;
	v19 =	vunpack.i.u.bf16.f32 v14;
	v21 =	vmul.bf16 v26, v23  }
0x1ab: {  	s4 =	simm.s32 $0x4;
	s14 =	sadd.s32 $0x100, s14;
	v26 =	vadd.f32 v31, v28;
	v28 =	vld [tilespmem:s5+$0xFFFFFFD0];
	s5 =	sadd.s32 $0x100, s5;
	v31 =	vadd.f32 v36, v63;
	v23 =	vperm.xlane v20, v2  }
.LBB2_13:
0x1ac: {  	v13 =	vld [tilespmem:s14+$0xFFFFFF80];
	p1 =	slt.u32 s4, $0x6;
	v27 =	vmul.bf16 v27, v29;
	v15 =	vadd.f32 v22, v15;
	v22 =	vadd.f32 v25, v32;
	s6 =	smov.u32 s4;
	s4 =	sadd.s32 $0x2, s4  }
0x1ad: {  	v29 =	vunpack.i.u.bf16.f32 v16;
	v24 =	vadd.f32 v26, v24;
	v25 =	vld [tilespmem:s14+$0x0];
	v30 =	vadd.f32 v30, v31  }
0x1ae: {  	v20 =	vadd.f32 v20, v23;
	v26 =	vld [tilespmem:s14+$0x10];
	v31 =	vunpack.i.u.bf16.f32 v27;
	v17 =	vadd.f32 v17, v22  }
0x1af: {  	v23 =	vunpack.i.l.bf16.f32 v27;
	v27 =	vunpack.i.u.bf16.f32 v18;
	v22 =	vld [tilespmem:s14+$0x50];
	v15 =	vadd.f32 v30, v15  }
0x1b0: {  	v30 =	vld [tilespmem:s14+$0x70];
	v28 =	vmul.bf16 v11, v28;
	v17 =	vadd.f32 v24, v17;
	v11 =	vperm.xlane v20, v3  }
0x1b1: {  	v32 =	vperm.xlane v10, v3;
	v23 =	vadd.f32 v23, v31;
	v24 =	vld [tilespmem:s14+$0x30];
	v31 =	vperm.xlane v15, v0  }
0x1b2: {  	v33 =	vld [tilespmem:s14+$0xFFFFFFC0];
	v34 =	vunpack.i.l.bf16.f32 v28;
	v35 =	vperm.xlane v17, v0;
	v20 =	vadd.f32 v20, v11  }
0x1b3: {  	v14 =	vunpack.i.l.bf16.f32 v14;
	v18 =	vunpack.i.l.bf16.f32 v18;
	v36 =	vld [tilespmem:s14+$0xFFFFFFF0];
	v15 =	vadd.f32 v15, v31  }
0x1b4: {  	v14 =	vadd.f32 v14, v19;
	v18 =	vadd.f32 v18, v27;
	v11 =	vld [tilespmem:s14+$0xFFFFFFD0];
	v19 =	vperm.xlane v20, v4  }
0x1b5: {  	v27 =	vunpack.i.u.bf16.f32 v21;
	v21 =	vunpack.i.l.bf16.f32 v21;
	v28 =	vunpack.i.u.bf16.f32 v28;
	v20 =	vld [tilespmem:s14+$0xFFFFFFB0]  }
0x1b6: {  	v10 =	vadd.f32 v10, v32;
	v21 =	vadd.f32 v21, v27;
	v31 =	vld [tilespmem:s14+$0x40];
	v7 =	vsel vm2, v19, v7  }
0x1b7: {  	v9 =	vunpack.i.l.bf16.f32 v9;
	v27 =	vadd.f32 v34, v28;
	v17 =	vadd.f32 v17, v35;
	v19 =	vld [tilespmem:s5+$0x10]  }
0x1b8: {  	v10 =	vperm.xlane v10, v4;
	v14 =	vadd.f32 v14, v18;
	v21 =	vadd.f32 v23, v21;
	v28 =	vld [tilespmem:s5+$0x0]  }
0x1b9: {  	v16 =	vunpack.i.l.bf16.f32 v16;
	v9 =	vadd.f32 v9, v12;
	v23 =	vunpack.i.l.bf16.f32 v8;
	v18 =	vld [tilespmem:s5+$0x40]  }
0x1ba: {  	v16 =	vadd.f32 v16, v29;
	v8 =	vunpack.i.u.bf16.f32 v8;
	v14 =	vadd.f32 v14, v21;
	v12 =	vld [tilespmem:s5+$0xFFFFFFC0]  }
0x1bb: {  	v8 =	vadd.f32 v23, v8;
	v17 =	vsel vm0, v15, v17;
	v7 =	vsel vm1, v10, v7;
	v21 =	vld [tilespmem:s14+$0x60]  }
0x1bc: {  	v9 =	vadd.f32 v27, v9;
	v15 =	vperm.xlane v14, v0;
	v10 =	vmul.bf16 v26, v19;
	v19 =	vld [tilespmem:s5+$0x30]  }
0x1bd: {  	s16 =	sadd.s32 $0x1, s6;
	v8 =	vadd.f32 v8, v16;
	v16 =	vperm.xlane v17, v1;
	v23 =	vmul.bf16 v25, v28;
	v25 =	vld [tilespmem:s5+$0x50]  }
0x1be: {  	v29 =	vadd.f32 v14, v15;
	v28 =	vmov s16;
	v26 =	vld [tilespmem:s5+$0xFFFFFFF0];
	v27 =	vunpack.i.u.bf16.f32 v10  }
0x1bf: {  	v32 =	vadd.f32 v8, v9;
	v14 =	vunpack.i.u.bf16.f32 v23;
	v15 =	vunpack.i.l.bf16.f32 v23;
	v23 =	vld [tilespmem:s5+$0x70]  }
0x1c0: {  	v16 =	vadd.f32 v17, v16;
	v34 =	vld [tilespmem:s5+$0xFFFFFFB0];
	v15 =	vadd.f32 v15, v14  }
0x1c1: {  	v9 =	vmul.bf16 v33, v12;
	v12 =	vperm.xlane v32, v0;
	v35 =	vld [tilespmem:s5+$0xFFFFFFA0]  }
0x1c2: {  	vm1 =	veq.s32 v6, v5;
	v17 =	vperm.xlane v16, v2;
	v6 =	vmovc v28;
	v14 =	vmul.bf16 v22, v25;
	v25 =	vld [tilespmem:s5+$0x60]  }
0x1c3: {  	v28 =	vld [tilespmem:s14+$0xFFFFFFA0];
	v8 =	vmul.bf16 v36, v26;
	v26 =	vadd.f32 v32, v12;
	v12 =	vmov s24;
	s24 =	smov.u32 s6  }
0x1c4: {  	v32 =	vld [tilespmem:s14+$0x20];
	v33 =	vunpack.i.u.bf16.f32 v14;
	v36 =	vunpack.i.l.bf16.f32 v14;
	vm2 =	veq.s32 v12, v5  }
0x1c5: {  	v23 =	vmul.bf16 v30, v23;
	v14 =	vmul.bf16 v20, v34;
	v20 =	vunpack.i.l.bf16.f32 v10;
	v34 =	vld [tilespmem:s5+$0x20]  }
0x1c6: {  	v37 =	vmul.bf16 v31, v18;
	v24 =	vmul.bf16 v24, v19;
	v10 =	vadd.f32 v16, v17;
	v30 =	vld [tilespmem:s14+$0xFFFFFFE0]  }
0x1c7: {  	v12 =	vunpack.i.u.bf16.f32 v9;
	v17 =	vadd.f32 v36, v33;
	v22 =	vadd.f32 v20, v27;
	v16 =	vld [tilespmem:s5+$0xFFFFFFE0]  }
0x1c8: {  	v20 =	vmul.bf16 v21, v25;
	v21 =	vsel vm0, v29, v26;
	v18 =	vmul.bf16 v28, v35  }
0x1c9: {  	v25 =	vunpack.i.l.bf16.f32 v37;
	v28 =	vunpack.i.u.bf16.f32 v23;
	v23 =	vunpack.i.l.bf16.f32 v23;
	v26 =	vld [tilespmem:s5+$0xFFFFFF80]  }
0x1ca: {  	v33 =	vperm.xlane v21, v1;
	v27 =	vld [tilespmem:s14+$0xFFFFFF90];
	v31 =	vmul.bf16 v32, v34;
	v32 =	vunpack.i.u.bf16.f32 v24  }
.Ltmp5:
0x1cb: {  	v19 =	vunpack.i.u.bf16.f32 v14;
	v34 =	vunpack.i.l.bf16.f32 v24;
	v24 =	vunpack.i.l.bf16.f32 v20;
	v29 =	vld [tilespmem:s5+$0xFFFFFF90];
	(pc) =	sbr.rel @p1 .LBB2_13-.Ltmp5, $4  }
0x1cc: {  	v20 =	vunpack.i.u.bf16.f32 v20;
	v16 =	vmul.bf16 v30, v16;
	v35 =	vunpack.i.u.bf16.f32 v31  }
0x1cd: {  	v24 =	vadd.f32 v24, v20;
	v20 =	vadd.f32 v21, v33;
	v31 =	vunpack.i.l.bf16.f32 v31  }
0x1ce: {  	v30 =	vadd.f32 v34, v32;
	v21 =	vmul.bf16 v13, v26;
	v26 =	vadd.f32 v23, v28  }
0x1cf: {  	s14 =	sadd.s32 $0x100, s14;
	v32 =	vunpack.i.u.bf16.f32 v37;
	v31 =	vadd.f32 v31, v35;
	v23 =	vperm.xlane v20, v2;
	v28 =	vld [tilespmem:s5+$0xFFFFFFD0];
	s5 =	sadd.s32 $0x100, s5  }
0x1d0: {  	v13 =	vmul.bf16 v27, v29  }
0x1d1: {  	v15 =	vadd.f32 v22, v15;
	v63 =	vadd.f32 v25, v32;
	v32 =	vunpack.i.u.bf16.f32 v16  }
0x1d2: {  	v34 =	vunpack.i.u.bf16.f32 v18;
	v36 =	vunpack.i.l.bf16.f32 v18;
	v14 =	vunpack.i.l.bf16.f32 v14  }
0x1d3: {  	v37 =	vunpack.i.u.bf16.f32 v21;
	v38 =	vunpack.i.l.bf16.f32 v21;
	v9 =	vunpack.i.l.bf16.f32 v9  }
0x1d4: {  	v40 =	vunpack.i.l.bf16.f32 v16;
	v41 =	vunpack.i.l.bf16.f32 v8;
	v46 =	vadd.f32 v26, v24  }
0x1d5: {  	v42 =	vunpack.i.u.bf16.f32 v8;
	v18 =	vadd.f32 v36, v34;
	v14 =	vadd.f32 v14, v19  }
0x1d6: {  	v39 =	vadd.f32 v38, v37;
	v9 =	vadd.f32 v9, v12;
	v11 =	vmul.bf16 v11, v28  }
0x1d7: {  	v43 =	vadd.f32 v40, v32;
	v8 =	vadd.f32 v41, v42;
	v27 =	vunpack.i.u.bf16.f32 v13  }
0x1d8: {  	s4 =	sshll.u32 s0, $0x4;
	v13 =	vunpack.i.l.bf16.f32 v13;
	v35 =	vunpack.i.l.bf16.f32 v11;
	v11 =	vunpack.i.u.bf16.f32 v11  }
0x1d9: {  	v44 =	vld [tilespmem:s4+$0x4DD0];
	v13 =	vadd.f32 v13, v27;
	v11 =	vadd.f32 v35, v11  }
0x1da: {  	v45 =	vld [tilespmem:s4+$0x74E0];
	v14 =	vadd.f32 v14, v18;
	v8 =	vadd.f32 v8, v43  }
0x1db: {  	v13 =	vadd.f32 v13, v39;
	v9 =	vadd.f32 v11, v9  }
0x1dc: {  	v33 =	vadd.f32 v30, v31;
	v47 =	vadd.f32 v17, v63  }
0x1dd: {  	v13 =	vadd.f32 v14, v13;
	v8 =	vadd.f32 v8, v9  }
0x1de: {  	v48 =	vadd.f32 v33, v15;
	v11 =	vadd.f32 v46, v47  }
0x1df: {  	v49 =	vperm.xlane v13, v0;
	v50 =	vperm.xlane v8, v0  }
0x1e0: {  	v15 =	vperm.xlane v48, v0;
	v51 =	vperm.xlane v11, v0  }
0x1e1: {  	v52 =	vld.idx.msk [tilespmem:v44+s3+$0x0], $0xffff;
	v12 =	vadd.f32 v13, v49;
	v8 =	vadd.f32 v8, v50  }
0x1e2: {  	v53 =	vld.idx.msk [tilespmem:v45+s3+$0x0], $0xffff;
	v9 =	vadd.f32 v48, v15;
	v11 =	vadd.f32 v11, v51  }
0x1e3: {  	v8 =	vsel vm0, v12, v8  }
0x1e4: {  	v9 =	vsel vm0, v9, v11;
	v54 =	vperm.xlane v8, v1  }
0x1e5: {  	v55 =	vperm.xlane v9, v1  }
0x1e6: {  	v8 =	vadd.f32 v8, v54  }
0x1e7: {  	v57 =	vadd.f32 v20, v23;
	v56 =	vmul.f32 v53, v52;
	v9 =	vadd.f32 v9, v55  }
0x1e8: {  	v58 =	vperm.xlane v8, v2  }
0x1e9: {  	v60 =	vperm.xlane v57, v3;
	v11 =	vmax.f32 v56, $9.999999970e-07;
	v59 =	vperm.xlane v9, v2  }
0x1ea: {  	v61 =	vperm.xlane v10, v3;
	(erf) = vrcp.f32 v11;
	v8 =	vadd.f32 v8, v58  }
0x1eb: {  	v12 =	vadd.f32 v57, v60;
	v9 =	vadd.f32 v9, v59  }
0x1ec: {  	v10 =	vadd.f32 v10, v61;
	v13 =	vperm.xlane v8, v3  }
0x1ed: {  	v12 =	vperm.xlane v12, v4;
	v62 =	vperm.xlane v9, v3  }
0x1ee: {  	v10 =	vperm.xlane v10, v4;
	v8 =	vadd.f32 v8, v13  }
0x1ef: {  	v7 =	vsel vm2, v12, v7;
	v9 =	vadd.f32 v9, v62  }
0x1f0: {  	s0 =	sadd.s32 $0x1, s0;
	v63 =	vmov s24;
	v7 =	vsel vm1, v10, v7;
	v8 =	vperm.xlane v8, v4  }
0x1f1: {  	p1 =	sne.s32 s0, $0x5;
	vm1 =	veq.s32 v63, v5;
	v9 =	vperm.xlane v9, v4  }
.Ltmp6:
0x1f2: {  	vm2 =	veq.s32 v6, v5;
	v6 =	vsel vm1, v8, v7;
	(pc) =	sbr.rel @p1 .LBB2_12-.Ltmp6, $3  }
0x1f3: {  	v7 =	vpop (erf);
	v6 =	vsel vm2, v9, v6  }
0x1f4: {  	v6 =	vmul.f32 v7, v6;
	_ =	sdelay $0x1  }
0x1f5: {  	s1 =	sadd.s32 $0x400, s1;
	s28 =	sadd.s32 $0x400, s28;
	[tilespmem:s4+$0x9BF0] =	vst v6  }
0x1f6: {  	s25 =	sadd.s32 $0x1, s25  }
0x1f7: {  	p1 =	sne.s32 s25, s10  }
.Ltmp7:
0x1f8: {  	s0 =	simm.s32 $0x7530;
	(pc) =	sbr.rel @p1 .LBB2_1-.Ltmp7, $4  }
0x1f9: {  	[hbm4b:s9+s3] =	stream.linear.scatter [tilespmem:s0], [sflag:$0x3], $0x2710, $0x38;
	[tilespmem:$0x18880] =	vst v63  }
0x1fa: {  	_ =	swait.ge [sflag:s15], $0x2710  }
0x1fb: {  	[sflag:s15] =	ssyncset.done $0x0  }
0x1fc: {  	[sflag:s15] =	ssyncadd.s32 $0xFFFFD8F0  }
0x1fd: {  	_ =	sfence.sel $0x180000  }
0x1fe: {  	[bflag:$0x0] =	sbarrier.arrive $0xFFFF  }
0x1ff: {  	_ =	strace $0x90000047  }
0x200: {  	s0 =	stileid.u32;
	[bflag:$0x2] =	sbarrier.arrive $0xFFFF  }
0x201: {  	p0 =	sne.s32 s0, $0x0;
	s0 =	rddreg [dreg:$0x3]  }
0x202: {  	s0 =	sadd.s32 @!p0 $0x100000, s0  }
0x203: {  	[sflag:s0] =	ssyncadd.tile.s32 @!p0 $0x1;
	_ =	shalt  }
.Lfunc_end2:
_tile_overlayer_lowered:
.L_overlay_start_2:
0x204: {  	(tag) =	ssettag $0x2  }
0x205: {  	s0 =	rddreg [dreg:$0x0];
	s2 =	stileid.u32  }
0x206: {  	s1 =	rddreg [dreg:$0x1];
	p0 =	sne.s32 s2, $0x0  }
0x207: {  	s3 =	rddreg [dreg:$0x2];
	[bflag:$0x3] =	sbarrier.arrive $0xFFFF;
	s2 =	simm.s32 @!p0 $0x1C03  }
0x208: {  	[timem:s3], [sflag:s2] =	dma.local @!p0 [hbm:s0], s1  }
0x209: {  	s0 =	simm.s32 @!p0 $0x3  }
0x20a: {  	_ =	swait.ge @!p0 [sflag:s0], s1  }
0x20b: {  	s1 =	ssub.s32 @!p0 $0x0, s1;
	[sflag:s0] =	ssyncset.done @!p0 $0x0  }
0x20c: {  	[sflag:s0] =	ssyncadd.s32 @!p0 s1  }
0x20d: {  	[bflag:$0x3] =	sbarrier.arrive $0xFFFF  }
0x20e: {  	_ =	shalt  }

</sc_bundles>
